<compile_context>
chip_gen: v7x
topology: tpu7x:2x2x1
jax: 0.10.2.dev20260603
libtpu: 0.0.44.dev20260713+nightly
codegen_flags: <defaults>
</compile_context>

<pallas_src>
import functools

import jax
import jax.numpy as jnp
from jax import lax
from jax.experimental import pallas as pl
from jax.experimental.pallas import tpu as pltpu
from jax.experimental.pallas import tpu_sc as plsc

E = 8
K = 2
D = 1024
H = 1024
O = 1024
T = 2048
A = T * K
BLK = 128
G = A // BLK + E
SPARE = G
XGR = (G + 1) * BLK

_SC_WORKERS = 32
_TOK_PER_W = T // _SC_WORKERS
_ROW_PER_W = A // _SC_WORKERS


def _gelu(x):
    return 0.5 * x * (1.0 + lax.erf(x * 0.7071067811865476))



def _rne_bf16_bits(x):
    u = lax.bitcast_convert_type(x, jnp.uint32)
    return u + 0x7FFF + ((u >> 16) & 1)


def _pack_bf16(x):
    n = x.shape[-1] // 2
    lo = _rne_bf16_bits(x[:, :n]) >> 16
    hi = _rne_bf16_bits(x[:, n:]) & jnp.uint32(0xFFFF0000)
    return lax.bitcast_convert_type(lo | hi, jnp.int32)


def _unpack_f32(p):
    u = lax.bitcast_convert_type(p, jnp.uint32)
    lo = lax.bitcast_convert_type(u << 16, jnp.float32)
    hi = lax.bitcast_convert_type(u & jnp.uint32(0xFFFF0000), jnp.float32)
    return jnp.concatenate([lo, hi], axis=-1)


def _unpack_bf16(p):
    return _unpack_f32(p).astype(jnp.bfloat16)

def _cumsum_rows(a, n):
    k = 1
    while k < n:
        z = jnp.zeros((k,) + a.shape[1:], a.dtype)
        a = a + jnp.concatenate([z, a[:-k]], axis=0)
        k *= 2
    return a


def _cumsum_lanes(a, n):
    k = 1
    while k < n:
        z = jnp.zeros(a.shape[:1] + (k,), a.dtype)
        a = a + jnp.concatenate([z, a[:, :-k]], axis=1)
        k *= 2
    return a


def _router_body(x_ref, wg1_ref, bg1_ref, wg2_ref, bg2_ref,
                 pos0_ref, pos1_ref, g0_ref, g1_ref, eid_ref, rb_ref,
                 act_ref, xpk_ref):
    xf = x_ref[...]
    hg = jnp.dot(xf, wg1_ref[...], preferred_element_type=jnp.float32)
    hg = hg + bg1_ref[...]
    hg = _gelu(hg)
    logits = jnp.dot(hg, wg2_ref[...], preferred_element_type=jnp.float32)
    logits = logits + bg2_ref[...]

    m = jnp.max(logits, axis=-1, keepdims=True)
    p = jnp.exp(logits - m)
    gates = p / jnp.sum(p, axis=-1, keepdims=True)

    v1 = jnp.max(gates, axis=-1, keepdims=True)
    top1 = jnp.argmax(gates, axis=-1, keepdims=True).astype(jnp.int32)
    iota_e = lax.broadcasted_iota(jnp.int32, (T, E), 1)
    a0 = iota_e == top1
    masked = jnp.where(a0, -jnp.inf, gates)
    v2 = jnp.max(masked, axis=-1, keepdims=True)
    top2 = jnp.argmax(masked, axis=-1, keepdims=True).astype(jnp.int32)
    a1 = iota_e == top2

    s = v1 + v2
    g0_ref[...] = v1 / s
    g1_ref[...] = v2 / s

    a0f = a0.astype(jnp.float32)
    a1f = a1.astype(jnp.float32)
    sf = a0f + a1f
    cinc = _cumsum_rows(sf, T)
    cex = cinc - sf
    rank0 = jnp.sum(cex * a0f, axis=-1, keepdims=True)
    rank1 = jnp.sum(cex * a1f, axis=-1, keepdims=True)

    counts = cinc[-1:, :]
    nb = jnp.floor((counts + (BLK - 1)) * (1.0 / BLK))
    cum_nb_inc = _cumsum_lanes(nb, E)
    offs = (cum_nb_inc - nb) * BLK
    pos0 = jnp.sum(offs * a0f, axis=-1, keepdims=True) + rank0
    pos1 = jnp.sum(offs * a1f, axis=-1, keepdims=True) + rank1
    pos0_ref[...] = pos0.astype(jnp.int32)
    pos1_ref[...] = pos1.astype(jnp.int32)

    total_blocks = jnp.sum(nb)
    iota_g = lax.broadcasted_iota(jnp.int32, (G, E), 0).astype(jnp.float32)
    eid_raw = jnp.sum((cum_nb_inc <= iota_g).astype(jnp.float32),
                      axis=-1, keepdims=True)
    gcol = iota_g[:, :1]
    active = gcol < total_blocks
    eid = jnp.where(active, jnp.minimum(eid_raw, E - 1.0), E - 1.0)
    rb = jnp.where(active, gcol, float(SPARE))
    eid_ref[...] = eid.astype(jnp.int32)
    rb_ref[...] = rb.astype(jnp.int32)
    act_ref[...] = active.astype(jnp.int32)
    xpk_ref[...] = _pack_bf16(xf)


def _router(xf, wg1, bg1, wg2, bg2):
    f32 = jnp.float32
    i32 = jnp.int32
    return pl.pallas_call(
        _router_body,
        out_shape=[
            jax.ShapeDtypeStruct((T, 1), i32),
            jax.ShapeDtypeStruct((T, 1), i32),
            jax.ShapeDtypeStruct((T, 1), f32),
            jax.ShapeDtypeStruct((T, 1), f32),
            jax.ShapeDtypeStruct((G, 1), i32),
            jax.ShapeDtypeStruct((G, 1), i32),
            jax.ShapeDtypeStruct((G, 1), i32),
            jax.ShapeDtypeStruct((T, D // 2), i32),
        ],
    )(xf, wg1, bg1.reshape(1, 2 * E), wg2, bg2.reshape(1, E))


def _sc_scatter(xpk, pos0, pos1):
    mesh = plsc.VectorSubcoreMesh(core_axis_name="c", subcore_axis_name="s")

    @functools.partial(
        pl.kernel,
        out_type=jax.ShapeDtypeStruct((XGR, D // 2), jnp.int32),
        mesh=mesh,
        scratch_types=[
            pltpu.VMEM((_TOK_PER_W, D // 2), jnp.int32),
            pltpu.VMEM((_TOK_PER_W,), jnp.int32),
            pltpu.VMEM((_TOK_PER_W,), jnp.int32),
        ],
    )
    def k(x_hbm, p0_hbm, p1_hbm, xg_hbm, rows_v, i0_v, i1_v):
        wid = lax.axis_index("s") * 2 + lax.axis_index("c")
        base = wid * _TOK_PER_W
        pltpu.sync_copy(x_hbm.at[pl.ds(base, _TOK_PER_W)], rows_v)
        pltpu.sync_copy(p0_hbm.at[pl.ds(base, _TOK_PER_W)], i0_v)
        pltpu.sync_copy(p1_hbm.at[pl.ds(base, _TOK_PER_W)], i1_v)
        pltpu.sync_copy(rows_v, xg_hbm.at[i0_v])
        pltpu.sync_copy(rows_v, xg_hbm.at[i1_v])

    return k(xpk, pos0, pos1)


def _sc_gather(y, posflat):
    mesh = plsc.VectorSubcoreMesh(core_axis_name="c", subcore_axis_name="s")
    chunk = _TOK_PER_W

    @functools.partial(
        pl.kernel,
        out_type=jax.ShapeDtypeStruct((A, O // 2), jnp.int32),
        mesh=mesh,
        scratch_types=[
            pltpu.VMEM((chunk, O // 2), jnp.int32),
            pltpu.VMEM((chunk,), jnp.int32),
        ],
    )
    def k(y_hbm, idx_hbm, z_hbm, rows_v, idx_v):
        wid = lax.axis_index("s") * 2 + lax.axis_index("c")

        @pl.loop(0, _ROW_PER_W // chunk)
        def _(c):
            base = wid * _ROW_PER_W + c * chunk
            pltpu.sync_copy(idx_hbm.at[pl.ds(base, chunk)], idx_v)
            pltpu.sync_copy(y_hbm.at[idx_v], rows_v)
            pltpu.sync_copy(rows_v, z_hbm.at[pl.ds(base, chunk)])

    return k(y, posflat)


def _ln(h, s, b):
    m = jnp.mean(h, axis=-1, keepdims=True)
    d = h - m
    v = jnp.mean(d * d, axis=-1, keepdims=True)
    return d * lax.rsqrt(v + 1e-5) * s + b


def _ffn_body(eid_ref, rb_ref, act_ref, xg_ref, w1_ref, b1_ref, l1s_ref,
              l1b_ref, w2_ref, b2_ref, l2s_ref, l2b_ref, w3_ref, b3_ref,
              y_ref):
    g = pl.program_id(0)

    @pl.when(act_ref[g] == 1)
    def _():
        hb = BLK // 2
        w1 = w1_ref[0]
        w2 = w2_ref[0]
        w3 = w3_ref[0]

        def layer(xin, w, b, ls, lb):
            h = jnp.dot(xin, w, preferred_element_type=jnp.float32) + b
            return _gelu(_ln(h, ls, lb)).astype(jnp.bfloat16)

        xs = [_unpack_bf16(xg_ref[:hb]), _unpack_bf16(xg_ref[hb:])]
        h1 = [layer(xh, w1, b1_ref[0], l1s_ref[0], l1b_ref[0]) for xh in xs]
        h2 = [layer(hh, w2, b2_ref[0], l2s_ref[0], l2b_ref[0]) for hh in h1]
        y_ref[:hb] = _pack_bf16(
            jnp.dot(h2[0], w3, preferred_element_type=jnp.float32) + b3_ref[0])
        y_ref[hb:] = _pack_bf16(
            jnp.dot(h2[1], w3, preferred_element_type=jnp.float32) + b3_ref[0])


def _ffn(xg, eid, rb, act, w1, b1, l1s, l1b, w2, b2, l2s, l2b, w3, b3):
    def xmap(g, eid_ref, rb_ref, act_ref):
        return (rb_ref[g], 0)

    def wmap(g, eid_ref, rb_ref, act_ref):
        return (eid_ref[g], 0, 0)

    def pmap(g, eid_ref, rb_ref, act_ref):
        return (eid_ref[g], 0, 0)

    wspec = pl.BlockSpec((1, D, H), wmap)
    pspec = pl.BlockSpec((1, 1, H), pmap)
    grid_spec = pltpu.PrefetchScalarGridSpec(
        num_scalar_prefetch=3,
        grid=(G,),
        in_specs=[
            pl.BlockSpec((BLK, D // 2), xmap),
            wspec, pspec, pspec, pspec,
            pl.BlockSpec((1, H, H), wmap), pspec, pspec, pspec,
            pl.BlockSpec((1, H, O), wmap), pspec,
        ],
        out_specs=pl.BlockSpec((BLK, O // 2), xmap),
    )
    return pl.pallas_call(
        _ffn_body,
        grid_spec=grid_spec,
        out_shape=jax.ShapeDtypeStruct((XGR, O // 2), jnp.int32),
    )(eid, rb, act, xg, w1, b1, l1s, l1b, w2, b2, l2s, l2b, w3, b3)


def _combine_body(z0_ref, z1_ref, g_ref, o_ref):
    z0 = _unpack_f32(z0_ref[...])
    z1 = _unpack_f32(z1_ref[...])
    g = g_ref[...]
    o_ref[...] = z0 * g[:, 0:1] + z1 * g[:, 1:2]


def _combine(z, gates):
    blk = 256
    nb = T // blk
    return pl.pallas_call(
        _combine_body,
        grid=(nb,),
        in_specs=[
            pl.BlockSpec((blk, O // 2), lambda i: (i, 0)),
            pl.BlockSpec((blk, O // 2), lambda i: (i + nb, 0)),
            pl.BlockSpec((blk, K), lambda i: (i, 0)),
        ],
        out_specs=pl.BlockSpec((blk, O), lambda i: (i, 0)),
        out_shape=jax.ShapeDtypeStruct((T, O), jnp.float32),
    )(z, z, gates)


def kernel(x, W1, b1, ln1_s, ln1_b, W2, b2, ln2_s, ln2_b, W3, b3,
           Wg1, bg1, Wg2, bg2):
    Bb, Ss, Dd = x.shape
    xf = x.reshape(T, D)

    pos0, pos1, g0, g1, eid, rb, act, xpk = _router(xf, Wg1, bg1, Wg2, bg2)
    pos0 = pos0.reshape(T)
    pos1 = pos1.reshape(T)

    xg = _sc_scatter(xpk, pos0, pos1)

    p3 = lambda a: a.reshape(E, 1, H)
    y = _ffn(
        xg, eid.reshape(G), rb.reshape(G), act.reshape(G),
        W1.astype(jnp.bfloat16), p3(b1), p3(ln1_s), p3(ln1_b),
        W2.astype(jnp.bfloat16), p3(b2), p3(ln2_s), p3(ln2_b),
        W3.astype(jnp.bfloat16), p3(b3),
    )

    posflat = jnp.concatenate([pos0, pos1])
    z = _sc_gather(y, posflat)

    gates = jnp.concatenate([g0, g1], axis=1)
    out = _combine(z, gates)
    return out.reshape(Bb, Ss, O)

# --- scband reference (transcript-rebuilt; emitter-appended) ---
"""Pipeline reference for scband-mixture-of-experts-43696997269562 (READ-ONLY COPY).

The authoritative reference and input builder live on the scoring server;
editing this copy changes nothing except your own understanding.
"""

import jax, jax.numpy as jnp
import numpy as np

E = 8
K = 2
D = 1024
H = 1024
O = 1024
B = 1
S = 2048


def _layernorm(x, s, b, eps=1e-5):
    m = x.mean(-1, keepdims=True)
    v = x.var(-1, keepdims=True)
    return (x - m) / jnp.sqrt(v + eps) * s + b


def setup_inputs(seed: int = 0) -> dict:
    key = jax.random.key(seed)
    ks = jax.random.split(key, 16)
    sc = 0.02
    inp = {}
    inp["x"] = jax.random.normal(ks[0], (B, S, D), dtype=jnp.float32)
    # Expert params (stacked over experts)
    inp["W1"] = jax.random.normal(ks[1], (E, D, H), dtype=jnp.float32) * sc
    inp["b1"] = jnp.zeros((E, H), dtype=jnp.float32)
    inp["ln1_s"] = jnp.ones((E, H), dtype=jnp.float32)
    inp["ln1_b"] = jnp.zeros((E, H), dtype=jnp.float32)
    inp["W2"] = jax.random.normal(ks[2], (E, H, H), dtype=jnp.float32) * sc
    inp["b2"] = jnp.zeros((E, H), dtype=jnp.float32)
    inp["ln2_s"] = jnp.ones((E, H), dtype=jnp.float32)
    inp["ln2_b"] = jnp.zeros((E, H), dtype=jnp.float32)
    inp["W3"] = jax.random.normal(ks[3], (E, H, O), dtype=jnp.float32) * sc
    inp["b3"] = jnp.zeros((E, O), dtype=jnp.float32)
    # Router params: Linear(D, 2E) -> GELU -> Linear(2E, E)
    inp["Wg1"] = jax.random.normal(ks[4], (D, 2 * E), dtype=jnp.float32) * sc
    inp["bg1"] = jnp.zeros((2 * E,), dtype=jnp.float32)
    inp["Wg2"] = jax.random.normal(ks[5], (2 * E, E), dtype=jnp.float32) * sc
    inp["bg2"] = jnp.zeros((E,), dtype=jnp.float32)
    return inp


def reference(x, W1, b1, ln1_s, ln1_b, W2, b2, ln2_s, ln2_b, W3, b3, Wg1, bg1, Wg2, bg2):
    # Eval-mode forward of MixtureOfExperts (no dropout, no router noise, no aux loss)
    Bb, Ss, Dd = x.shape
    xf = x.reshape(-1, Dd)
    # Router
    hg = jax.nn.gelu(xf @ Wg1 + bg1, approximate=False)
    logits = hg @ Wg2 + bg2
    gates_full = jax.nn.softmax(logits, axis=-1)
    topv, topi = jax.lax.top_k(gates_full, K)
    topv = topv / topv.sum(axis=-1, keepdims=True)
    # Dense per-expert gate weights: w[t, e] = sum_k topv[t, k] * (topi[t, k] == e)
    w = (jax.nn.one_hot(topi, E, dtype=xf.dtype) * topv[..., None]).sum(axis=1)
    out = jnp.zeros((xf.shape[0], O), dtype=xf.dtype)
    for e in range(E):
        h = xf @ W1[e] + b1[e]
        h = jax.nn.gelu(_layernorm(h, ln1_s[e], ln1_b[e]), approximate=False)
        h = h @ W2[e] + b2[e]
        h = jax.nn.gelu(_layernorm(h, ln2_s[e], ln2_b[e]), approximate=False)
        h = h @ W3[e] + b3[e]
        out = out + w[:, e:e + 1] * h
    return out.reshape(Bb, Ss, O)

if __name__ == "__main__":
    import jax
    _d = setup_inputs()
    print(jax.jit(kernel)(*tuple(_d.values())))

</pallas_src>

<mosaic_0001>
#map = affine_map<(d0, d1) -> (0, 0)>
#map1 = affine_map<(d0, d1) -> (0)>
module attributes {stable_mosaic.version = 14 : i64} {
  func.func @k(%arg0: i32, %arg1: i32, %arg2: memref<5248x512xi32, #tpu.memory_space<hbm>>, %arg3: memref<4096xi32, #tpu.memory_space<hbm>>, %arg4: memref<4096x512xi32, #tpu.memory_space<hbm>>, %arg5: memref<64x512xi32, #tpu.memory_space<vmem>>, %arg6: memref<64xi32, #tpu.memory_space<vmem>>) attributes {dimension_semantics = [#tpu.dimension_semantics<core_parallel>, #tpu.dimension_semantics<subcore_parallel>], iteration_bounds = array<i64: 2, 16>, scalar_prefetch = 0 : i64, scratch_operands = 2 : i64, tpu.core_type = #tpu.core_type<sc_vector_subcore>, window_params = [{transform_indices = #map}, {transform_indices = #map1}, {transform_indices = #map}]} {
    %mul3A = arith.constant 2 : i32
    %mul3A_0 = arith.muli %arg1, %mul3A : i32
    %add3A = arith.addi %mul3A_0, %arg0 : i32
    %scan3A = arith.constant 0 : i32
    %scan3A_1 = arith.constant 2 : i32
    %scan3A_2 = arith.addi %scan3A, %scan3A_1 : i32
    %scan3A_3 = arith.constant 1 : i32
    scf.for %scan3A_5 = %scan3A to %scan3A_2 step %scan3A_3  : i32 {
      %mul3A_6 = arith.constant 1 : i32
      %mul3A_7 = arith.muli %scan3A_5, %mul3A_6 : i32
      %add3A_8 = arith.constant 0 : i32
      %add3A_9 = arith.addi %add3A_8, %mul3A_7 : i32
      %mul3A_10 = arith.constant 128 : i32
      %mul3A_11 = arith.muli %add3A, %mul3A_10 : i32
      %mul3A_12 = arith.constant 64 : i32
      %mul3A_13 = arith.muli %add3A_9, %mul3A_12 : i32
      %add3A_14 = arith.addi %mul3A_11, %mul3A_13 : i32
      "tpu.region"() ({
        %run_scoped3A = tpu.sem_alloc : memref<!tpu.dma_semaphore, #tpu.memory_space<semaphore_mem>>
        %dma_start3A = tpu.memref_slice %arg3[%add3A_14] : memref<4096xi32, #tpu.memory_space<hbm>> -> memref<64xi32, #tpu.memory_space<hbm>>
        %dma_start3A_15 = tpu.memref_slice %arg3[%add3A_14] : memref<4096xi32, #tpu.memory_space<hbm>> -> memref<64xi32, #tpu.memory_space<hbm>>
        tpu.enqueue_dma source(%dma_start3A_15 : memref<64xi32, #tpu.memory_space<hbm>>) target(%arg6 : memref<64xi32, #tpu.memory_space<vmem>>) target_semaphore(%run_scoped3A : memref<!tpu.dma_semaphore, #tpu.memory_space<semaphore_mem>>)
        %dma_wait3A = tpu.memref_slice %arg3[%add3A_14] : memref<4096xi32, #tpu.memory_space<hbm>> -> memref<64xi32, #tpu.memory_space<hbm>>
        %dma_wait3A_16 = tpu.memref_slice %arg3[%add3A_14] : memref<4096xi32, #tpu.memory_space<hbm>> -> memref<64xi32, #tpu.memory_space<hbm>>
        tpu.wait_dma2 semaphore(%run_scoped3A : memref<!tpu.dma_semaphore, #tpu.memory_space<semaphore_mem>>) src(%dma_wait3A_16 : memref<64xi32, #tpu.memory_space<hbm>>) dst(%arg6 : memref<64xi32, #tpu.memory_space<vmem>>)
        tpu.yield
      }) : () -> ()
      "tpu.region"() ({
        %run_scoped3A = tpu.sem_alloc : memref<!tpu.dma_semaphore, #tpu.memory_space<semaphore_mem>>
        %dma_start3A = arith.constant 0 : i32
        %dma_start3A_15 = arith.constant 0 : i32
        %dma_start3A_16 = tpu.memref_slice %arg2[%dma_start3A, %dma_start3A_15] : memref<5248x512xi32, #tpu.memory_space<hbm>> -> memref<5248x512xi32, #tpu.memory_space<hbm>>
        tpu.enqueue_indirect_dma source(%dma_start3A_16 : memref<5248x512xi32, #tpu.memory_space<hbm>>) target(%arg5 : memref<64x512xi32, #tpu.memory_space<vmem>>) offsets(%arg6 : memref<64xi32, #tpu.memory_space<vmem>>) semaphore(%run_scoped3A : memref<!tpu.dma_semaphore, #tpu.memory_space<semaphore_mem>>)
        %dma_wait3A = arith.constant 0 : i32
        %dma_wait3A_17 = arith.constant 0 : i32
        %dma_wait3A_18 = tpu.memref_slice %arg2[%dma_wait3A, %dma_wait3A_17] : memref<5248x512xi32, #tpu.memory_space<hbm>> -> memref<5248x512xi32, #tpu.memory_space<hbm>>
        tpu.wait_indirect_dma semaphore(%run_scoped3A : memref<!tpu.dma_semaphore, #tpu.memory_space<semaphore_mem>>) src(%dma_wait3A_18 : memref<5248x512xi32, #tpu.memory_space<hbm>>) dst(%arg5 : memref<64x512xi32, #tpu.memory_space<vmem>>)
        tpu.yield
      }) : () -> ()
      "tpu.region"() ({
        %run_scoped3A = tpu.sem_alloc : memref<!tpu.dma_semaphore, #tpu.memory_space<semaphore_mem>>
        %dma_start3A = arith.constant 0 : i32
        %dma_start3A_15 = tpu.memref_slice %arg4[%add3A_14, %dma_start3A] : memref<4096x512xi32, #tpu.memory_space<hbm>> -> memref<64x512xi32, #tpu.memory_space<hbm>>
        %dma_start3A_16 = arith.constant 0 : i32
        %dma_start3A_17 = tpu.memref_slice %arg4[%add3A_14, %dma_start3A_16] : memref<4096x512xi32, #tpu.memory_space<hbm>> -> memref<64x512xi32, #tpu.memory_space<hbm>>
        tpu.enqueue_dma source(%arg5 : memref<64x512xi32, #tpu.memory_space<vmem>>) target(%dma_start3A_17 : memref<64x512xi32, #tpu.memory_space<hbm>>) target_semaphore(%run_scoped3A : memref<!tpu.dma_semaphore, #tpu.memory_space<semaphore_mem>>)
        %dma_wait3A = arith.constant 0 : i32
        %dma_wait3A_18 = tpu.memref_slice %arg4[%add3A_14, %dma_wait3A] : memref<4096x512xi32, #tpu.memory_space<hbm>> -> memref<64x512xi32, #tpu.memory_space<hbm>>
        %dma_wait3A_19 = arith.constant 0 : i32
        %dma_wait3A_20 = tpu.memref_slice %arg4[%add3A_14, %dma_wait3A_19] : memref<4096x512xi32, #tpu.memory_space<hbm>> -> memref<64x512xi32, #tpu.memory_space<hbm>>
        tpu.wait_dma2 semaphore(%run_scoped3A : memref<!tpu.dma_semaphore, #tpu.memory_space<semaphore_mem>>) src(%arg5 : memref<64x512xi32, #tpu.memory_space<vmem>>) dst(%dma_wait3A_20 : memref<64x512xi32, #tpu.memory_space<hbm>>)
        tpu.yield
      }) : () -> ()
    }
    %scan3A_4 = arith.constant 2 : i32
    return
  }
}

#map = affine_map<(d0, d1) -> (0, 0)>
#map1 = affine_map<(d0, d1) -> (0)>
module attributes {stable_mosaic.version = 14 : i64} {
  func.func @k(%arg0: i32, %arg1: i32, %arg2: memref<2048x512xi32, #tpu.memory_space<hbm>>, %arg3: memref<2048xi32, #tpu.memory_space<hbm>>, %arg4: memref<2048xi32, #tpu.memory_space<hbm>>, %arg5: memref<5248x512xi32, #tpu.memory_space<hbm>>, %arg6: memref<64x512xi32, #tpu.memory_space<vmem>>, %arg7: memref<64xi32, #tpu.memory_space<vmem>>, %arg8: memref<64xi32, #tpu.memory_space<vmem>>) attributes {dimension_semantics = [#tpu.dimension_semantics<core_parallel>, #tpu.dimension_semantics<subcore_parallel>], iteration_bounds = array<i64: 2, 16>, scalar_prefetch = 0 : i64, scratch_operands = 3 : i64, tpu.core_type = #tpu.core_type<sc_vector_subcore>, window_params = [{transform_indices = #map}, {transform_indices = #map1}, {transform_indices = #map1}, {transform_indices = #map}]} {
    %mul3A = arith.constant 2 : i32
    %mul3A_0 = arith.muli %arg1, %mul3A : i32
    %add3A = arith.addi %mul3A_0, %arg0 : i32
    %mul3A_1 = arith.constant 64 : i32
    %mul3A_2 = arith.muli %add3A, %mul3A_1 : i32
    "tpu.region"() ({
      %run_scoped3A = tpu.sem_alloc : memref<!tpu.dma_semaphore, #tpu.memory_space<semaphore_mem>>
      %dma_start3A = arith.constant 0 : i32
      %dma_start3A_3 = tpu.memref_slice %arg2[%mul3A_2, %dma_start3A] : memref<2048x512xi32, #tpu.memory_space<hbm>> -> memref<64x512xi32, #tpu.memory_space<hbm>>
      %dma_start3A_4 = arith.constant 0 : i32
      %dma_start3A_5 = tpu.memref_slice %arg2[%mul3A_2, %dma_start3A_4] : memref<2048x512xi32, #tpu.memory_space<hbm>> -> memref<64x512xi32, #tpu.memory_space<hbm>>
      tpu.enqueue_dma source(%dma_start3A_5 : memref<64x512xi32, #tpu.memory_space<hbm>>) target(%arg6 : memref<64x512xi32, #tpu.memory_space<vmem>>) target_semaphore(%run_scoped3A : memref<!tpu.dma_semaphore, #tpu.memory_space<semaphore_mem>>)
      %dma_wait3A = arith.constant 0 : i32
      %dma_wait3A_6 = tpu.memref_slice %arg2[%mul3A_2, %dma_wait3A] : memref<2048x512xi32, #tpu.memory_space<hbm>> -> memref<64x512xi32, #tpu.memory_space<hbm>>
      %dma_wait3A_7 = arith.constant 0 : i32
      %dma_wait3A_8 = tpu.memref_slice %arg2[%mul3A_2, %dma_wait3A_7] : memref<2048x512xi32, #tpu.memory_space<hbm>> -> memref<64x512xi32, #tpu.memory_space<hbm>>
      tpu.wait_dma2 semaphore(%run_scoped3A : memref<!tpu.dma_semaphore, #tpu.memory_space<semaphore_mem>>) src(%dma_wait3A_8 : memref<64x512xi32, #tpu.memory_space<hbm>>) dst(%arg6 : memref<64x512xi32, #tpu.memory_space<vmem>>)
      tpu.yield
    }) : () -> ()
    "tpu.region"() ({
      %run_scoped3A = tpu.sem_alloc : memref<!tpu.dma_semaphore, #tpu.memory_space<semaphore_mem>>
      %dma_start3A = tpu.memref_slice %arg3[%mul3A_2] : memref<2048xi32, #tpu.memory_space<hbm>> -> memref<64xi32, #tpu.memory_space<hbm>>
      %dma_start3A_3 = tpu.memref_slice %arg3[%mul3A_2] : memref<2048xi32, #tpu.memory_space<hbm>> -> memref<64xi32, #tpu.memory_space<hbm>>
      tpu.enqueue_dma source(%dma_start3A_3 : memref<64xi32, #tpu.memory_space<hbm>>) target(%arg7 : memref<64xi32, #tpu.memory_space<vmem>>) target_semaphore(%run_scoped3A : memref<!tpu.dma_semaphore, #tpu.memory_space<semaphore_mem>>)
      %dma_wait3A = tpu.memref_slice %arg3[%mul3A_2] : memref<2048xi32, #tpu.memory_space<hbm>> -> memref<64xi32, #tpu.memory_space<hbm>>
      %dma_wait3A_4 = tpu.memref_slice %arg3[%mul3A_2] : memref<2048xi32, #tpu.memory_space<hbm>> -> memref<64xi32, #tpu.memory_space<hbm>>
      tpu.wait_dma2 semaphore(%run_scoped3A : memref<!tpu.dma_semaphore, #tpu.memory_space<semaphore_mem>>) src(%dma_wait3A_4 : memref<64xi32, #tpu.memory_space<hbm>>) dst(%arg7 : memref<64xi32, #tpu.memory_space<vmem>>)
      tpu.yield
    }) : () -> ()
    "tpu.region"() ({
      %run_scoped3A = tpu.sem_alloc : memref<!tpu.dma_semaphore, #tpu.memory_space<semaphore_mem>>
      %dma_start3A = tpu.memref_slice %arg4[%mul3A_2] : memref<2048xi32, #tpu.memory_space<hbm>> -> memref<64xi32, #tpu.memory_space<hbm>>
      %dma_start3A_3 = tpu.memref_slice %arg4[%mul3A_2] : memref<2048xi32, #tpu.memory_space<hbm>> -> memref<64xi32, #tpu.memory_space<hbm>>
      tpu.enqueue_dma source(%dma_start3A_3 : memref<64xi32, #tpu.memory_space<hbm>>) target(%arg8 : memref<64xi32, #tpu.memory_space<vmem>>) target_semaphore(%run_scoped3A : memref<!tpu.dma_semaphore, #tpu.memory_space<semaphore_mem>>)
      %dma_wait3A = tpu.memref_slice %arg4[%mul3A_2] : memref<2048xi32, #tpu.memory_space<hbm>> -> memref<64xi32, #tpu.memory_space<hbm>>
      %dma_wait3A_4 = tpu.memref_slice %arg4[%mul3A_2] : memref<2048xi32, #tpu.memory_space<hbm>> -> memref<64xi32, #tpu.memory_space<hbm>>
      tpu.wait_dma2 semaphore(%run_scoped3A : memref<!tpu.dma_semaphore, #tpu.memory_space<semaphore_mem>>) src(%dma_wait3A_4 : memref<64xi32, #tpu.memory_space<hbm>>) dst(%arg8 : memref<64xi32, #tpu.memory_space<vmem>>)
      tpu.yield
    }) : () -> ()
    "tpu.region"() ({
      %run_scoped3A = tpu.sem_alloc : memref<!tpu.dma_semaphore, #tpu.memory_space<semaphore_mem>>
      %dma_start3A = arith.constant 0 : i32
      %dma_start3A_3 = arith.constant 0 : i32
      %dma_start3A_4 = tpu.memref_slice %arg5[%dma_start3A, %dma_start3A_3] : memref<5248x512xi32, #tpu.memory_space<hbm>> -> memref<5248x512xi32, #tpu.memory_space<hbm>>
      tpu.enqueue_indirect_dma source(%arg6 : memref<64x512xi32, #tpu.memory_space<vmem>>) target(%dma_start3A_4 : memref<5248x512xi32, #tpu.memory_space<hbm>>) offsets(%arg7 : memref<64xi32, #tpu.memory_space<vmem>>) semaphore(%run_scoped3A : memref<!tpu.dma_semaphore, #tpu.memory_space<semaphore_mem>>)
      %dma_wait3A = arith.constant 0 : i32
      %dma_wait3A_5 = arith.constant 0 : i32
      %dma_wait3A_6 = tpu.memref_slice %arg5[%dma_wait3A, %dma_wait3A_5] : memref<5248x512xi32, #tpu.memory_space<hbm>> -> memref<5248x512xi32, #tpu.memory_space<hbm>>
      tpu.wait_indirect_dma semaphore(%run_scoped3A : memref<!tpu.dma_semaphore, #tpu.memory_space<semaphore_mem>>) src(%arg6 : memref<64x512xi32, #tpu.memory_space<vmem>>) dst(%dma_wait3A_6 : memref<5248x512xi32, #tpu.memory_space<hbm>>)
      tpu.yield
    }) : () -> ()
    "tpu.region"() ({
      %run_scoped3A = tpu.sem_alloc : memref<!tpu.dma_semaphore, #tpu.memory_space<semaphore_mem>>
      %dma_start3A = arith.constant 0 : i32
      %dma_start3A_3 = arith.constant 0 : i32
      %dma_start3A_4 = tpu.memref_slice %arg5[%dma_start3A, %dma_start3A_3] : memref<5248x512xi32, #tpu.memory_space<hbm>> -> memref<5248x512xi32, #tpu.memory_space<hbm>>
      tpu.enqueue_indirect_dma source(%arg6 : memref<64x512xi32, #tpu.memory_space<vmem>>) target(%dma_start3A_4 : memref<5248x512xi32, #tpu.memory_space<hbm>>) offsets(%arg8 : memref<64xi32, #tpu.memory_space<vmem>>) semaphore(%run_scoped3A : memref<!tpu.dma_semaphore, #tpu.memory_space<semaphore_mem>>)
      %dma_wait3A = arith.constant 0 : i32
      %dma_wait3A_5 = arith.constant 0 : i32
      %dma_wait3A_6 = tpu.memref_slice %arg5[%dma_wait3A, %dma_wait3A_5] : memref<5248x512xi32, #tpu.memory_space<hbm>> -> memref<5248x512xi32, #tpu.memory_space<hbm>>
      tpu.wait_indirect_dma semaphore(%run_scoped3A : memref<!tpu.dma_semaphore, #tpu.memory_space<semaphore_mem>>) src(%arg6 : memref<64x512xi32, #tpu.memory_space<vmem>>) dst(%dma_wait3A_6 : memref<5248x512xi32, #tpu.memory_space<hbm>>)
      tpu.yield
    }) : () -> ()
    return
  }
}

module attributes {stable_mosaic.version = 14 : i64} {
  func.func @_router_body(%arg0: memref<2048x1024xf32, #tpu.memory_space<vmem>>, %arg1: memref<1024x16xf32, #tpu.memory_space<vmem>>, %arg2: memref<1x16xf32, #tpu.memory_space<vmem>>, %arg3: memref<16x8xf32, #tpu.memory_space<vmem>>, %arg4: memref<1x8xf32, #tpu.memory_space<vmem>>, %arg5: memref<2048x1xi32, #tpu.memory_space<vmem>>, %arg6: memref<2048x1xi32, #tpu.memory_space<vmem>>, %arg7: memref<2048x1xf32, #tpu.memory_space<vmem>>, %arg8: memref<2048x1xf32, #tpu.memory_space<vmem>>, %arg9: memref<40x1xi32, #tpu.memory_space<vmem>>, %arg10: memref<40x1xi32, #tpu.memory_space<vmem>>, %arg11: memref<40x1xi32, #tpu.memory_space<vmem>>, %arg12: memref<2048x512xi32, #tpu.memory_space<vmem>>) attributes {dimension_semantics = [], scalar_prefetch = 0 : i64, scratch_operands = 0 : i64, tpu.core_type = #tpu.core_type<tc>} {
    %get3A = arith.constant 0 : index
    %get3A_0 = arith.constant 0 : index
    %get3A_1 = vector.load %arg0[%get3A, %get3A_0] : memref<2048x1024xf32, #tpu.memory_space<vmem>>, vector<2048x1024xf32>
    %get3A_2 = arith.constant 0 : index
    %get3A_3 = arith.constant 0 : index
    %get3A_4 = vector.load %arg1[%get3A_2, %get3A_3] : memref<1024x16xf32, #tpu.memory_space<vmem>>, vector<1024x16xf32>
    %dot_general3A = arith.constant dense<0.000000e+00> : vector<2048x16xf32>
    %dot_general3A_5 = tpu.matmul %get3A_1, %get3A_4, %dot_general3A {dimension_numbers = #tpu.dot_dimension_numbers<[1], [0], [0], [1], [0, 0, 1, 1], [], []>, transpose_lhs_hint = false} : vector<2048x1024xf32>, vector<1024x16xf32>, vector<2048x16xf32> -> vector<2048x16xf32>
    %get3A_6 = arith.constant 0 : index
    %get3A_7 = arith.constant 0 : index
    %get3A_8 = vector.load %arg2[%get3A_6, %get3A_7] : memref<1x16xf32, #tpu.memory_space<vmem>>, vector<1x16xf32>
    %add3A = vector.broadcast %get3A_8 : vector<1x16xf32> to vector<2048x16xf32>
    %add3A_9 = arith.addf %dot_general3A_5, %add3A : vector<2048x16xf32>
    %mul3A = arith.constant 5.000000e-01 : f32
    %mul3A_10 = vector.broadcast %mul3A : f32 to vector<2048x16xf32>
    %mul3A_11 = arith.mulf %mul3A_10, %add3A_9 : vector<2048x16xf32>
    %mul3A_12 = arith.constant 0.707106769 : f32
    %mul3A_13 = vector.broadcast %mul3A_12 : f32 to vector<2048x16xf32>
    %mul3A_14 = arith.mulf %add3A_9, %mul3A_13 : vector<2048x16xf32>
    %erf3A = math.erf %mul3A_14 : vector<2048x16xf32>
    %add3A_15 = arith.constant 1.000000e+00 : f32
    %add3A_16 = vector.broadcast %add3A_15 : f32 to vector<2048x16xf32>
    %add3A_17 = arith.addf %add3A_16, %erf3A : vector<2048x16xf32>
    %mul3A_18 = arith.mulf %mul3A_11, %add3A_17 : vector<2048x16xf32>
    %get3A_19 = arith.constant 0 : index
    %get3A_20 = arith.constant 0 : index
    %get3A_21 = vector.load %arg3[%get3A_19, %get3A_20] : memref<16x8xf32, #tpu.memory_space<vmem>>, vector<16x8xf32>
    %dot_general3A_22 = arith.constant dense<0.000000e+00> : vector<2048x8xf32>
    %dot_general3A_23 = tpu.matmul %mul3A_18, %get3A_21, %dot_general3A_22 {dimension_numbers = #tpu.dot_dimension_numbers<[1], [0], [0], [1], [0, 0, 1, 1], [], []>, transpose_lhs_hint = false} : vector<2048x16xf32>, vector<16x8xf32>, vector<2048x8xf32> -> vector<2048x8xf32>
    %get3A_24 = arith.constant 0 : index
    %get3A_25 = arith.constant 0 : index
    %get3A_26 = vector.load %arg4[%get3A_24, %get3A_25] : memref<1x8xf32, #tpu.memory_space<vmem>>, vector<1x8xf32>
    %add3A_27 = vector.broadcast %get3A_26 : vector<1x8xf32> to vector<2048x8xf32>
    %add3A_28 = arith.addf %dot_general3A_23, %add3A_27 : vector<2048x8xf32>
    %reduce_max3A = arith.constant dense<0xFF800000> : vector<2048xf32>
    %reduce_max3A_29 = vector.multi_reduction <maximumf>, %add3A_28, %reduce_max3A [1] : vector<2048x8xf32> to vector<2048xf32>
    %broadcast_in_dim3A = vector.shape_cast %reduce_max3A_29 : vector<2048xf32> to vector<2048x1xf32>
    %sub3A = vector.broadcast %broadcast_in_dim3A : vector<2048x1xf32> to vector<2048x8xf32>
    %sub3A_30 = arith.subf %add3A_28, %sub3A : vector<2048x8xf32>
    %exp3A = math.exp %sub3A_30 : vector<2048x8xf32>
    %reduce_sum3A = arith.constant dense<0.000000e+00> : vector<2048xf32>
    %reduce_sum3A_31 = vector.multi_reduction <add>, %exp3A, %reduce_sum3A [1] : vector<2048x8xf32> to vector<2048xf32>
    %broadcast_in_dim3A_32 = vector.shape_cast %reduce_sum3A_31 : vector<2048xf32> to vector<2048x1xf32>
    %div3A = vector.broadcast %broadcast_in_dim3A_32 : vector<2048x1xf32> to vector<2048x8xf32>
    %div3A_33 = arith.divf %exp3A, %div3A : vector<2048x8xf32>
    %reduce_max3A_34 = arith.constant dense<0xFF800000> : vector<2048xf32>
    %reduce_max3A_35 = vector.multi_reduction <maximumf>, %div3A_33, %reduce_max3A_34 [1] : vector<2048x8xf32> to vector<2048xf32>
    %broadcast_in_dim3A_36 = vector.shape_cast %reduce_max3A_35 : vector<2048xf32> to vector<2048x1xf32>
    %argmax3A = tpu.reduce_index %div3A_33 {axis = 1 : i32, kind = #tpu.reduction_kind<arg_max>} : vector<2048x8xf32> -> vector<2048xi32>
    %broadcast_in_dim3A_37 = vector.shape_cast %argmax3A : vector<2048xi32> to vector<2048x1xi32>
    %iota3A = tpu.iota {dimensions = array<i32: 1>} : vector<2048x8xi32>
    %eq3A = vector.broadcast %broadcast_in_dim3A_37 : vector<2048x1xi32> to vector<2048x8xi32>
    %eq3A_38 = arith.cmpi eq, %iota3A, %eq3A : vector<2048x8xi32>
    %jit3A = arith.constant 0xFF800000 : f32
    %broadcast_in_dim3A_39 = vector.broadcast %jit3A : f32 to vector<2048x8xf32>
    %select_n3A = arith.select %eq3A_38, %broadcast_in_dim3A_39, %div3A_33 : vector<2048x8xi1>, vector<2048x8xf32>
    %reduce_max3A_40 = arith.constant dense<0xFF800000> : vector<2048xf32>
    %reduce_max3A_41 = vector.multi_reduction <maximumf>, %select_n3A, %reduce_max3A_40 [1] : vector<2048x8xf32> to vector<2048xf32>
    %broadcast_in_dim3A_42 = vector.shape_cast %reduce_max3A_41 : vector<2048xf32> to vector<2048x1xf32>
    %argmax3A_43 = tpu.reduce_index %select_n3A {axis = 1 : i32, kind = #tpu.reduction_kind<arg_max>} : vector<2048x8xf32> -> vector<2048xi32>
    %broadcast_in_dim3A_44 = vector.shape_cast %argmax3A_43 : vector<2048xi32> to vector<2048x1xi32>
    %eq3A_45 = vector.broadcast %broadcast_in_dim3A_44 : vector<2048x1xi32> to vector<2048x8xi32>
    %eq3A_46 = arith.cmpi eq, %iota3A, %eq3A_45 : vector<2048x8xi32>
    %add3A_47 = arith.addf %broadcast_in_dim3A_36, %broadcast_in_dim3A_42 : vector<2048x1xf32>
    %div3A_48 = arith.divf %broadcast_in_dim3A_36, %add3A_47 : vector<2048x1xf32>
    %swap3A = arith.constant 0 : index
    %swap3A_49 = arith.constant 0 : index
    %swap3A_50 = vector.load %arg7[%swap3A, %swap3A_49] : memref<2048x1xf32, #tpu.memory_space<vmem>>, vector<2048x1xf32>
    tpu.vector_store %arg7[%swap3A, %swap3A_49], %div3A_48 {strides = array<i32>} : memref<2048x1xf32, #tpu.memory_space<vmem>>, vector<2048x1xf32>,
    %div3A_51 = arith.divf %broadcast_in_dim3A_42, %add3A_47 : vector<2048x1xf32>
    %swap3A_52 = arith.constant 0 : index
    %swap3A_53 = arith.constant 0 : index
    %swap3A_54 = vector.load %arg8[%swap3A_52, %swap3A_53] : memref<2048x1xf32, #tpu.memory_space<vmem>>, vector<2048x1xf32>
    tpu.vector_store %arg8[%swap3A_52, %swap3A_53], %div3A_51 {strides = array<i32>} : memref<2048x1xf32, #tpu.memory_space<vmem>>, vector<2048x1xf32>,
    %convert_element_type3A = arith.extui %eq3A_38 : vector<2048x8xi1> to vector<2048x8xi32>
    %convert_element_type3A_55 = arith.sitofp %convert_element_type3A : vector<2048x8xi32> to vector<2048x8xf32>
    %convert_element_type3A_56 = arith.extui %eq3A_46 : vector<2048x8xi1> to vector<2048x8xi32>
    %convert_element_type3A_57 = arith.sitofp %convert_element_type3A_56 : vector<2048x8xi32> to vector<2048x8xf32>
    %add3A_58 = arith.addf %convert_element_type3A_55, %convert_element_type3A_57 : vector<2048x8xf32>
    %broadcast_in_dim3A_59 = arith.constant 0.000000e+00 : f32
    %broadcast_in_dim3A_60 = vector.broadcast %broadcast_in_dim3A_59 : f32 to vector<1x8xf32>
    %slice3A = vector.extract_strided_slice %add3A_58 {offsets = [0, 0], sizes = [2047, 8], strides = [1, 1]} : vector<2048x8xf32> to vector<2047x8xf32>
    %concatenate3A = tpu.concatenate %broadcast_in_dim3A_60, %slice3A in 0 : vector<1x8xf32>, vector<2047x8xf32> -> vector<2048x8xf32>
    %add3A_61 = arith.addf %add3A_58, %concatenate3A : vector<2048x8xf32>
    %broadcast_in_dim3A_62 = arith.constant 0.000000e+00 : f32
    %broadcast_in_dim3A_63 = vector.broadcast %broadcast_in_dim3A_62 : f32 to vector<2x8xf32>
    %slice3A_64 = vector.extract_strided_slice %add3A_61 {offsets = [0, 0], sizes = [2046, 8], strides = [1, 1]} : vector<2048x8xf32> to vector<2046x8xf32>
    %concatenate3A_65 = tpu.concatenate %broadcast_in_dim3A_63, %slice3A_64 in 0 : vector<2x8xf32>, vector<2046x8xf32> -> vector<2048x8xf32>
    %add3A_66 = arith.addf %add3A_61, %concatenate3A_65 : vector<2048x8xf32>
    %broadcast_in_dim3A_67 = arith.constant 0.000000e+00 : f32
    %broadcast_in_dim3A_68 = vector.broadcast %broadcast_in_dim3A_67 : f32 to vector<4x8xf32>
    %slice3A_69 = vector.extract_strided_slice %add3A_66 {offsets = [0, 0], sizes = [2044, 8], strides = [1, 1]} : vector<2048x8xf32> to vector<2044x8xf32>
    %concatenate3A_70 = tpu.concatenate %broadcast_in_dim3A_68, %slice3A_69 in 0 : vector<4x8xf32>, vector<2044x8xf32> -> vector<2048x8xf32>
    %add3A_71 = arith.addf %add3A_66, %concatenate3A_70 : vector<2048x8xf32>
    %broadcast_in_dim3A_72 = arith.constant 0.000000e+00 : f32
    %broadcast_in_dim3A_73 = vector.broadcast %broadcast_in_dim3A_72 : f32 to vector<8x8xf32>
    %slice3A_74 = vector.extract_strided_slice %add3A_71 {offsets = [0, 0], sizes = [2040, 8], strides = [1, 1]} : vector<2048x8xf32> to vector<2040x8xf32>
    %concatenate3A_75 = tpu.concatenate %broadcast_in_dim3A_73, %slice3A_74 in 0 : vector<8x8xf32>, vector<2040x8xf32> -> vector<2048x8xf32>
    %add3A_76 = arith.addf %add3A_71, %concatenate3A_75 : vector<2048x8xf32>
    %broadcast_in_dim3A_77 = arith.constant 0.000000e+00 : f32
    %broadcast_in_dim3A_78 = vector.broadcast %broadcast_in_dim3A_77 : f32 to vector<16x8xf32>
    %slice3A_79 = vector.extract_strided_slice %add3A_76 {offsets = [0, 0], sizes = [2032, 8], strides = [1, 1]} : vector<2048x8xf32> to vector<2032x8xf32>
    %concatenate3A_80 = tpu.concatenate %broadcast_in_dim3A_78, %slice3A_79 in 0 : vector<16x8xf32>, vector<2032x8xf32> -> vector<2048x8xf32>
    %add3A_81 = arith.addf %add3A_76, %concatenate3A_80 : vector<2048x8xf32>
    %broadcast_in_dim3A_82 = arith.constant 0.000000e+00 : f32
    %broadcast_in_dim3A_83 = vector.broadcast %broadcast_in_dim3A_82 : f32 to vector<32x8xf32>
    %slice3A_84 = vector.extract_strided_slice %add3A_81 {offsets = [0, 0], sizes = [2016, 8], strides = [1, 1]} : vector<2048x8xf32> to vector<2016x8xf32>
    %concatenate3A_85 = tpu.concatenate %broadcast_in_dim3A_83, %slice3A_84 in 0 : vector<32x8xf32>, vector<2016x8xf32> -> vector<2048x8xf32>
    %add3A_86 = arith.addf %add3A_81, %concatenate3A_85 : vector<2048x8xf32>
    %broadcast_in_dim3A_87 = arith.constant 0.000000e+00 : f32
    %broadcast_in_dim3A_88 = vector.broadcast %broadcast_in_dim3A_87 : f32 to vector<64x8xf32>
    %slice3A_89 = vector.extract_strided_slice %add3A_86 {offsets = [0, 0], sizes = [1984, 8], strides = [1, 1]} : vector<2048x8xf32> to vector<1984x8xf32>
    %concatenate3A_90 = tpu.concatenate %broadcast_in_dim3A_88, %slice3A_89 in 0 : vector<64x8xf32>, vector<1984x8xf32> -> vector<2048x8xf32>
    %add3A_91 = arith.addf %add3A_86, %concatenate3A_90 : vector<2048x8xf32>
    %broadcast_in_dim3A_92 = arith.constant 0.000000e+00 : f32
    %broadcast_in_dim3A_93 = vector.broadcast %broadcast_in_dim3A_92 : f32 to vector<128x8xf32>
    %slice3A_94 = vector.extract_strided_slice %add3A_91 {offsets = [0, 0], sizes = [1920, 8], strides = [1, 1]} : vector<2048x8xf32> to vector<1920x8xf32>
    %concatenate3A_95 = tpu.concatenate %broadcast_in_dim3A_93, %slice3A_94 in 0 : vector<128x8xf32>, vector<1920x8xf32> -> vector<2048x8xf32>
    %add3A_96 = arith.addf %add3A_91, %concatenate3A_95 : vector<2048x8xf32>
    %broadcast_in_dim3A_97 = arith.constant 0.000000e+00 : f32
    %broadcast_in_dim3A_98 = vector.broadcast %broadcast_in_dim3A_97 : f32 to vector<256x8xf32>
    %slice3A_99 = vector.extract_strided_slice %add3A_96 {offsets = [0, 0], sizes = [1792, 8], strides = [1, 1]} : vector<2048x8xf32> to vector<1792x8xf32>
    %concatenate3A_100 = tpu.concatenate %broadcast_in_dim3A_98, %slice3A_99 in 0 : vector<256x8xf32>, vector<1792x8xf32> -> vector<2048x8xf32>
    %add3A_101 = arith.addf %add3A_96, %concatenate3A_100 : vector<2048x8xf32>
    %broadcast_in_dim3A_102 = arith.constant 0.000000e+00 : f32
    %broadcast_in_dim3A_103 = vector.broadcast %broadcast_in_dim3A_102 : f32 to vector<512x8xf32>
    %slice3A_104 = vector.extract_strided_slice %add3A_101 {offsets = [0, 0], sizes = [1536, 8], strides = [1, 1]} : vector<2048x8xf32> to vector<1536x8xf32>
    %concatenate3A_105 = tpu.concatenate %broadcast_in_dim3A_103, %slice3A_104 in 0 : vector<512x8xf32>, vector<1536x8xf32> -> vector<2048x8xf32>
    %add3A_106 = arith.addf %add3A_101, %concatenate3A_105 : vector<2048x8xf32>
    %broadcast_in_dim3A_107 = arith.constant 0.000000e+00 : f32
    %broadcast_in_dim3A_108 = vector.broadcast %broadcast_in_dim3A_107 : f32 to vector<1024x8xf32>
    %slice3A_109 = vector.extract_strided_slice %add3A_106 {offsets = [0, 0], sizes = [1024, 8], strides = [1, 1]} : vector<2048x8xf32> to vector<1024x8xf32>
    %concatenate3A_110 = tpu.concatenate %broadcast_in_dim3A_108, %slice3A_109 in 0 : vector<1024x8xf32>, vector<1024x8xf32> -> vector<2048x8xf32>
    %add3A_111 = arith.addf %add3A_106, %concatenate3A_110 : vector<2048x8xf32>
    %sub3A_112 = arith.subf %add3A_111, %add3A_58 : vector<2048x8xf32>
    %mul3A_113 = arith.mulf %sub3A_112, %convert_element_type3A_55 : vector<2048x8xf32>
    %reduce_sum3A_114 = arith.constant dense<0.000000e+00> : vector<2048xf32>
    %reduce_sum3A_115 = vector.multi_reduction <add>, %mul3A_113, %reduce_sum3A_114 [1] : vector<2048x8xf32> to vector<2048xf32>
    %broadcast_in_dim3A_116 = vector.shape_cast %reduce_sum3A_115 : vector<2048xf32> to vector<2048x1xf32>
    %mul3A_117 = arith.mulf %sub3A_112, %convert_element_type3A_57 : vector<2048x8xf32>
    %reduce_sum3A_118 = arith.constant dense<0.000000e+00> : vector<2048xf32>
    %reduce_sum3A_119 = vector.multi_reduction <add>, %mul3A_117, %reduce_sum3A_118 [1] : vector<2048x8xf32> to vector<2048xf32>
    %broadcast_in_dim3A_120 = vector.shape_cast %reduce_sum3A_119 : vector<2048xf32> to vector<2048x1xf32>
    %slice3A_121 = vector.extract_strided_slice %add3A_111 {offsets = [2047, 0], sizes = [1, 8], strides = [1, 1]} : vector<2048x8xf32> to vector<1x8xf32>
    %add3A_122 = arith.constant 1.270000e+02 : f32
    %add3A_123 = vector.broadcast %add3A_122 : f32 to vector<1x8xf32>
    %add3A_124 = arith.addf %slice3A_121, %add3A_123 : vector<1x8xf32>
    %mul3A_125 = arith.constant 7.812500e-03 : f32
    %mul3A_126 = vector.broadcast %mul3A_125 : f32 to vector<1x8xf32>
    %mul3A_127 = arith.mulf %add3A_124, %mul3A_126 : vector<1x8xf32>
    %floor3A = math.floor %mul3A_127 : vector<1x8xf32>
    %broadcast_in_dim3A_128 = arith.constant 0.000000e+00 : f32
    %broadcast_in_dim3A_129 = vector.broadcast %broadcast_in_dim3A_128 : f32 to vector<1x1xf32>
    %slice3A_130 = vector.extract_strided_slice %floor3A {offsets = [0, 0], sizes = [1, 7], strides = [1, 1]} : vector<1x8xf32> to vector<1x7xf32>
    %concatenate3A_131 = tpu.concatenate %broadcast_in_dim3A_129, %slice3A_130 in 1 : vector<1x1xf32>, vector<1x7xf32> -> vector<1x8xf32>
    %add3A_132 = arith.addf %floor3A, %concatenate3A_131 : vector<1x8xf32>
    %broadcast_in_dim3A_133 = arith.constant 0.000000e+00 : f32
    %broadcast_in_dim3A_134 = vector.broadcast %broadcast_in_dim3A_133 : f32 to vector<1x2xf32>
    %slice3A_135 = vector.extract_strided_slice %add3A_132 {offsets = [0, 0], sizes = [1, 6], strides = [1, 1]} : vector<1x8xf32> to vector<1x6xf32>
    %concatenate3A_136 = tpu.concatenate %broadcast_in_dim3A_134, %slice3A_135 in 1 : vector<1x2xf32>, vector<1x6xf32> -> vector<1x8xf32>
    %add3A_137 = arith.addf %add3A_132, %concatenate3A_136 : vector<1x8xf32>
    %broadcast_in_dim3A_138 = arith.constant 0.000000e+00 : f32
    %broadcast_in_dim3A_139 = vector.broadcast %broadcast_in_dim3A_138 : f32 to vector<1x4xf32>
    %slice3A_140 = vector.extract_strided_slice %add3A_137 {offsets = [0, 0], sizes = [1, 4], strides = [1, 1]} : vector<1x8xf32> to vector<1x4xf32>
    %concatenate3A_141 = tpu.concatenate %broadcast_in_dim3A_139, %slice3A_140 in 1 : vector<1x4xf32>, vector<1x4xf32> -> vector<1x8xf32>
    %add3A_142 = arith.addf %add3A_137, %concatenate3A_141 : vector<1x8xf32>
    %sub3A_143 = arith.subf %add3A_142, %floor3A : vector<1x8xf32>
    %mul3A_144 = arith.constant 1.280000e+02 : f32
    %mul3A_145 = vector.broadcast %mul3A_144 : f32 to vector<1x8xf32>
    %mul3A_146 = arith.mulf %sub3A_143, %mul3A_145 : vector<1x8xf32>
    %mul3A_147 = vector.broadcast %mul3A_146 : vector<1x8xf32> to vector<2048x8xf32>
    %mul3A_148 = arith.mulf %mul3A_147, %convert_element_type3A_55 : vector<2048x8xf32>
    %reduce_sum3A_149 = arith.constant dense<0.000000e+00> : vector<2048xf32>
    %reduce_sum3A_150 = vector.multi_reduction <add>, %mul3A_148, %reduce_sum3A_149 [1] : vector<2048x8xf32> to vector<2048xf32>
    %broadcast_in_dim3A_151 = vector.shape_cast %reduce_sum3A_150 : vector<2048xf32> to vector<2048x1xf32>
    %add3A_152 = arith.addf %broadcast_in_dim3A_151, %broadcast_in_dim3A_116 : vector<2048x1xf32>
    %mul3A_153 = vector.broadcast %mul3A_146 : vector<1x8xf32> to vector<2048x8xf32>
    %mul3A_154 = arith.mulf %mul3A_153, %convert_element_type3A_57 : vector<2048x8xf32>
    %reduce_sum3A_155 = arith.constant dense<0.000000e+00> : vector<2048xf32>
    %reduce_sum3A_156 = vector.multi_reduction <add>, %mul3A_154, %reduce_sum3A_155 [1] : vector<2048x8xf32> to vector<2048xf32>
    %broadcast_in_dim3A_157 = vector.shape_cast %reduce_sum3A_156 : vector<2048xf32> to vector<2048x1xf32>
    %add3A_158 = arith.addf %broadcast_in_dim3A_157, %broadcast_in_dim3A_120 : vector<2048x1xf32>
    %convert_element_type3A_159 = arith.fptosi %add3A_152 : vector<2048x1xf32> to vector<2048x1xi32>
    %swap3A_160 = arith.constant 0 : index
    %swap3A_161 = arith.constant 0 : index
    %swap3A_162 = vector.load %arg5[%swap3A_160, %swap3A_161] : memref<2048x1xi32, #tpu.memory_space<vmem>>, vector<2048x1xi32>
    tpu.vector_store %arg5[%swap3A_160, %swap3A_161], %convert_element_type3A_159 {strides = array<i32>} : memref<2048x1xi32, #tpu.memory_space<vmem>>, vector<2048x1xi32>,
    %convert_element_type3A_163 = arith.fptosi %add3A_158 : vector<2048x1xf32> to vector<2048x1xi32>
    %swap3A_164 = arith.constant 0 : index
    %swap3A_165 = arith.constant 0 : index
    %swap3A_166 = vector.load %arg6[%swap3A_164, %swap3A_165] : memref<2048x1xi32, #tpu.memory_space<vmem>>, vector<2048x1xi32>
    tpu.vector_store %arg6[%swap3A_164, %swap3A_165], %convert_element_type3A_163 {strides = array<i32>} : memref<2048x1xi32, #tpu.memory_space<vmem>>, vector<2048x1xi32>,
    %reduce_sum3A_167 = vector.shape_cast %floor3A : vector<1x8xf32> to vector<1x1x8xf32>
    %reduce_sum3A_168 = arith.constant dense<0.000000e+00> : vector<1xf32>
    %reduce_sum3A_169 = vector.multi_reduction <add>, %reduce_sum3A_167, %reduce_sum3A_168 [1, 2] : vector<1x1x8xf32> to vector<1xf32>
    %reduce_sum3A_170 = vector.shape_cast %reduce_sum3A_169 : vector<1xf32> to vector<1x1x1xf32>
    %reduce_sum3A_171 = vector.extract %reduce_sum3A_170[0, 0, 0] : f32 from vector<1x1x1xf32>
    %iota3A_172 = tpu.iota {dimensions = array<i32: 0>} : vector<40x8xi32>
    %convert_element_type3A_173 = arith.sitofp %iota3A_172 : vector<40x8xi32> to vector<40x8xf32>
    %le3A = vector.broadcast %add3A_142 : vector<1x8xf32> to vector<40x8xf32>
    %le3A_174 = arith.cmpf ole, %le3A, %convert_element_type3A_173 : vector<40x8xf32>
    %convert_element_type3A_175 = arith.extui %le3A_174 : vector<40x8xi1> to vector<40x8xi32>
    %convert_element_type3A_176 = arith.sitofp %convert_element_type3A_175 : vector<40x8xi32> to vector<40x8xf32>
    %reduce_sum3A_177 = arith.constant dense<0.000000e+00> : vector<40xf32>
    %reduce_sum3A_178 = vector.multi_reduction <add>, %convert_element_type3A_176, %reduce_sum3A_177 [1] : vector<40x8xf32> to vector<40xf32>
    %broadcast_in_dim3A_179 = vector.shape_cast %reduce_sum3A_178 : vector<40xf32> to vector<40x1xf32>
    %slice3A_180 = vector.extract_strided_slice %convert_element_type3A_173 {offsets = [0, 0], sizes = [40, 1], strides = [1, 1]} : vector<40x8xf32> to vector<40x1xf32>
    %lt3A = vector.broadcast %reduce_sum3A_171 : f32 to vector<40x1xf32>
    %lt3A_181 = arith.cmpf olt, %slice3A_180, %lt3A : vector<40x1xf32>
    %min3A = arith.constant 7.000000e+00 : f32
    %min3A_182 = vector.broadcast %min3A : f32 to vector<40x1xf32>
    %min3A_183 = arith.minimumf %broadcast_in_dim3A_179, %min3A_182 : vector<40x1xf32>
    %jit3A_184 = arith.constant 7.000000e+00 : f32
    %broadcast_in_dim3A_185 = vector.broadcast %jit3A_184 : f32 to vector<40x1xf32>
    %select_n3A_186 = arith.select %lt3A_181, %min3A_183, %broadcast_in_dim3A_185 : vector<40x1xi1>, vector<40x1xf32>
    %jit3A_187 = arith.constant 4.000000e+01 : f32
    %broadcast_in_dim3A_188 = vector.broadcast %jit3A_187 : f32 to vector<40x1xf32>
    %select_n3A_189 = arith.select %lt3A_181, %slice3A_180, %broadcast_in_dim3A_188 : vector<40x1xi1>, vector<40x1xf32>
    %convert_element_type3A_190 = arith.fptosi %select_n3A_186 : vector<40x1xf32> to vector<40x1xi32>
    %swap3A_191 = arith.constant 0 : index
    %swap3A_192 = arith.constant 0 : index
    %swap3A_193 = vector.load %arg9[%swap3A_191, %swap3A_192] : memref<40x1xi32, #tpu.memory_space<vmem>>, vector<40x1xi32>
    tpu.vector_store %arg9[%swap3A_191, %swap3A_192], %convert_element_type3A_190 {strides = array<i32>} : memref<40x1xi32, #tpu.memory_space<vmem>>, vector<40x1xi32>,
    %convert_element_type3A_194 = arith.fptosi %select_n3A_189 : vector<40x1xf32> to vector<40x1xi32>
    %swap3A_195 = arith.constant 0 : index
    %swap3A_196 = arith.constant 0 : index
    %swap3A_197 = vector.load %arg10[%swap3A_195, %swap3A_196] : memref<40x1xi32, #tpu.memory_space<vmem>>, vector<40x1xi32>
    tpu.vector_store %arg10[%swap3A_195, %swap3A_196], %convert_element_type3A_194 {strides = array<i32>} : memref<40x1xi32, #tpu.memory_space<vmem>>, vector<40x1xi32>,
    %convert_element_type3A_198 = arith.extui %lt3A_181 : vector<40x1xi1> to vector<40x1xi32>
    %swap3A_199 = arith.constant 0 : index
    %swap3A_200 = arith.constant 0 : index
    %swap3A_201 = vector.load %arg11[%swap3A_199, %swap3A_200] : memref<40x1xi32, #tpu.memory_space<vmem>>, vector<40x1xi32>
    tpu.vector_store %arg11[%swap3A_199, %swap3A_200], %convert_element_type3A_198 {strides = array<i32>} : memref<40x1xi32, #tpu.memory_space<vmem>>, vector<40x1xi32>,
    %slice3A_202 = vector.extract_strided_slice %get3A_1 {offsets = [0, 0], sizes = [2048, 512], strides = [1, 1]} : vector<2048x1024xf32> to vector<2048x512xf32>
    %bitcast_convert_type3A = tpu.bitcast %slice3A_202 : vector<2048x512xf32> -> vector<2048x512xi32>
    %add3A_203 = arith.constant 32767 : i32
    %add3A_204 = vector.broadcast %add3A_203 : i32 to vector<2048x512xi32>
    %add3A_205 = arith.addi %bitcast_convert_type3A, %add3A_204 : vector<2048x512xi32>
    %shift_right_logical3A = arith.constant 16 : i32
    %shift_right_logical3A_206 = vector.broadcast %shift_right_logical3A : i32 to vector<2048x512xi32>
    %shift_right_logical3A_207 = arith.shrui %bitcast_convert_type3A, %shift_right_logical3A_206 : vector<2048x512xi32>
    %and3A = arith.constant 1 : i32
    %and3A_208 = vector.broadcast %and3A : i32 to vector<2048x512xi32>
    %and3A_209 = arith.andi %shift_right_logical3A_207, %and3A_208 : vector<2048x512xi32>
    %add3A_210 = arith.addi %add3A_205, %and3A_209 : vector<2048x512xi32>
    %shift_right_logical3A_211 = arith.constant 16 : i32
    %shift_right_logical3A_212 = vector.broadcast %shift_right_logical3A_211 : i32 to vector<2048x512xi32>
    %shift_right_logical3A_213 = arith.shrui %add3A_210, %shift_right_logical3A_212 : vector<2048x512xi32>
    %slice3A_214 = vector.extract_strided_slice %get3A_1 {offsets = [0, 512], sizes = [2048, 512], strides = [1, 1]} : vector<2048x1024xf32> to vector<2048x512xf32>
    %bitcast_convert_type3A_215 = tpu.bitcast %slice3A_214 : vector<2048x512xf32> -> vector<2048x512xi32>
    %add3A_216 = arith.constant 32767 : i32
    %add3A_217 = vector.broadcast %add3A_216 : i32 to vector<2048x512xi32>
    %add3A_218 = arith.addi %bitcast_convert_type3A_215, %add3A_217 : vector<2048x512xi32>
    %shift_right_logical3A_219 = arith.constant 16 : i32
    %shift_right_logical3A_220 = vector.broadcast %shift_right_logical3A_219 : i32 to vector<2048x512xi32>
    %shift_right_logical3A_221 = arith.shrui %bitcast_convert_type3A_215, %shift_right_logical3A_220 : vector<2048x512xi32>
    %and3A_222 = arith.constant 1 : i32
    %and3A_223 = vector.broadcast %and3A_222 : i32 to vector<2048x512xi32>
    %and3A_224 = arith.andi %shift_right_logical3A_221, %and3A_223 : vector<2048x512xi32>
    %add3A_225 = arith.addi %add3A_218, %and3A_224 : vector<2048x512xi32>
    %and3A_226 = arith.constant -65536 : i32
    %and3A_227 = vector.broadcast %and3A_226 : i32 to vector<2048x512xi32>
    %and3A_228 = arith.andi %add3A_225, %and3A_227 : vector<2048x512xi32>
    %or3A = arith.ori %shift_right_logical3A_213, %and3A_228 : vector<2048x512xi32>
    %bitcast_convert_type3A_229 = tpu.bitcast %or3A : vector<2048x512xi32> -> vector<2048x512xi32>
    %swap3A_230 = arith.constant 0 : index
    %swap3A_231 = arith.constant 0 : index
    %swap3A_232 = vector.load %arg12[%swap3A_230, %swap3A_231] : memref<2048x512xi32, #tpu.memory_space<vmem>>, vector<2048x512xi32>
    tpu.vector_store %arg12[%swap3A_230, %swap3A_231], %bitcast_convert_type3A_229 {strides = array<i32>} : memref<2048x512xi32, #tpu.memory_space<vmem>>, vector<2048x512xi32>,
    return
  }
}

module attributes {stable_mosaic.version = 14 : i64} {
  func.func @_ffn_body(%arg0: i32, %arg1: memref<40xi32, #tpu.memory_space<smem>>, %arg2: memref<40xi32, #tpu.memory_space<smem>>, %arg3: memref<40xi32, #tpu.memory_space<smem>>, %arg4: memref<128x512xi32, #tpu.memory_space<vmem>>, %arg5: memref<1x1024x1024xbf16, #tpu.memory_space<vmem>>, %arg6: memref<1x1x1024xf32, #tpu.memory_space<vmem>>, %arg7: memref<1x1x1024xf32, #tpu.memory_space<vmem>>, %arg8: memref<1x1x1024xf32, #tpu.memory_space<vmem>>, %arg9: memref<1x1024x1024xbf16, #tpu.memory_space<vmem>>, %arg10: memref<1x1x1024xf32, #tpu.memory_space<vmem>>, %arg11: memref<1x1x1024xf32, #tpu.memory_space<vmem>>, %arg12: memref<1x1x1024xf32, #tpu.memory_space<vmem>>, %arg13: memref<1x1024x1024xbf16, #tpu.memory_space<vmem>>, %arg14: memref<1x1x1024xf32, #tpu.memory_space<vmem>>, %arg15: memref<128x512xi32, #tpu.memory_space<vmem>>) attributes {dimension_semantics = [#tpu.dimension_semantics<arbitrary>], iteration_bounds = array<i64: 40>, scalar_prefetch = 3 : i64, scratch_operands = 0 : i64, tpu.core_type = #tpu.core_type<tc>, window_params = [{transform_indices = @transform_0, window_bounds = array<i64: 128, 512>}, {transform_indices = @transform_1, window_bounds = array<i64: 1, 1024, 1024>}, {transform_indices = @transform_2, window_bounds = array<i64: 1, 1, 1024>}, {transform_indices = @transform_3, window_bounds = array<i64: 1, 1, 1024>}, {transform_indices = @transform_4, window_bounds = array<i64: 1, 1, 1024>}, {transform_indices = @transform_5, window_bounds = array<i64: 1, 1024, 1024>}, {transform_indices = @transform_6, window_bounds = array<i64: 1, 1, 1024>}, {transform_indices = @transform_7, window_bounds = array<i64: 1, 1, 1024>}, {transform_indices = @transform_8, window_bounds = array<i64: 1, 1, 1024>}, {transform_indices = @transform_9, window_bounds = array<i64: 1, 1024, 1024>}, {transform_indices = @transform_10, window_bounds = array<i64: 1, 1, 1024>}, {transform_indices = @transform_11, window_bounds = array<i64: 128, 512>}]} {
    %get3A = arith.index_cast %arg0 : i32 to index
    %get3A_0 = memref.load %arg3[%get3A] : memref<40xi32, #tpu.memory_space<smem>>
    %eq3A = arith.constant 1 : i32
    %eq3A_1 = arith.cmpi eq, %get3A_0, %eq3A : i32
    %convert_element_type3A = arith.extui %eq3A_1 : i1 to i32
    %cond3A = arith.constant 0 : i32
    %cond3A_2 = arith.cmpi ne, %convert_element_type3A, %cond3A : i32
    scf.if %cond3A_2 {
      %get3A_3 = arith.constant 0 : index
      %get3A_4 = arith.constant 0 : index
      %get3A_5 = arith.constant 0 : index
      %get3A_6 = vector.load %arg5[%get3A_3, %get3A_4, %get3A_5] : memref<1x1024x1024xbf16, #tpu.memory_space<vmem>>, vector<1x1024x1024xbf16>
      %get3A_7 = vector.shape_cast %get3A_6 : vector<1x1024x1024xbf16> to vector<1024x1024xbf16>
      %get3A_8 = arith.constant 0 : index
      %get3A_9 = arith.constant 0 : index
      %get3A_10 = arith.constant 0 : index
      %get3A_11 = vector.load %arg9[%get3A_8, %get3A_9, %get3A_10] : memref<1x1024x1024xbf16, #tpu.memory_space<vmem>>, vector<1x1024x1024xbf16>
      %get3A_12 = vector.shape_cast %get3A_11 : vector<1x1024x1024xbf16> to vector<1024x1024xbf16>
      %get3A_13 = arith.constant 0 : index
      %get3A_14 = arith.constant 0 : index
      %get3A_15 = arith.constant 0 : index
      %get3A_16 = vector.load %arg13[%get3A_13, %get3A_14, %get3A_15] : memref<1x1024x1024xbf16, #tpu.memory_space<vmem>>, vector<1x1024x1024xbf16>
      %get3A_17 = vector.shape_cast %get3A_16 : vector<1x1024x1024xbf16> to vector<1024x1024xbf16>
      %get3A_18 = arith.constant 0 : index
      %get3A_19 = arith.constant 0 : index
      %get3A_20 = vector.load %arg4[%get3A_18, %get3A_19] : memref<128x512xi32, #tpu.memory_space<vmem>>, vector<64x512xi32>
      %bitcast_convert_type3A = tpu.bitcast %get3A_20 : vector<64x512xi32> -> vector<64x512xi32>
      %shift_left3A = arith.constant 16 : i32
      %shift_left3A_21 = vector.broadcast %shift_left3A : i32 to vector<64x512xi32>
      %shift_left3A_22 = arith.shli %bitcast_convert_type3A, %shift_left3A_21 : vector<64x512xi32>
      %bitcast_convert_type3A_23 = tpu.bitcast %shift_left3A_22 : vector<64x512xi32> -> vector<64x512xf32>
      %and3A = arith.constant -65536 : i32
      %and3A_24 = vector.broadcast %and3A : i32 to vector<64x512xi32>
      %and3A_25 = arith.andi %bitcast_convert_type3A, %and3A_24 : vector<64x512xi32>
      %bitcast_convert_type3A_26 = tpu.bitcast %and3A_25 : vector<64x512xi32> -> vector<64x512xf32>
      %concatenate3A = tpu.concatenate %bitcast_convert_type3A_23, %bitcast_convert_type3A_26 in 1 : vector<64x512xf32>, vector<64x512xf32> -> vector<64x1024xf32>
      %convert_element_type3A_27 = arith.truncf %concatenate3A : vector<64x1024xf32> to vector<64x1024xbf16>
      %get3A_28 = arith.constant 64 : index
      %get3A_29 = arith.constant 0 : index
      %get3A_30 = vector.load %arg4[%get3A_28, %get3A_29] : memref<128x512xi32, #tpu.memory_space<vmem>>, vector<64x512xi32>
      %bitcast_convert_type3A_31 = tpu.bitcast %get3A_30 : vector<64x512xi32> -> vector<64x512xi32>
      %shift_left3A_32 = arith.constant 16 : i32
      %shift_left3A_33 = vector.broadcast %shift_left3A_32 : i32 to vector<64x512xi32>
      %shift_left3A_34 = arith.shli %bitcast_convert_type3A_31, %shift_left3A_33 : vector<64x512xi32>
      %bitcast_convert_type3A_35 = tpu.bitcast %shift_left3A_34 : vector<64x512xi32> -> vector<64x512xf32>
      %and3A_36 = arith.constant -65536 : i32
      %and3A_37 = vector.broadcast %and3A_36 : i32 to vector<64x512xi32>
      %and3A_38 = arith.andi %bitcast_convert_type3A_31, %and3A_37 : vector<64x512xi32>
      %bitcast_convert_type3A_39 = tpu.bitcast %and3A_38 : vector<64x512xi32> -> vector<64x512xf32>
      %concatenate3A_40 = tpu.concatenate %bitcast_convert_type3A_35, %bitcast_convert_type3A_39 in 1 : vector<64x512xf32>, vector<64x512xf32> -> vector<64x1024xf32>
      %convert_element_type3A_41 = arith.truncf %concatenate3A_40 : vector<64x1024xf32> to vector<64x1024xbf16>
      %get3A_42 = arith.constant 0 : index
      %get3A_43 = arith.constant 0 : index
      %get3A_44 = arith.constant 0 : index
      %get3A_45 = vector.load %arg6[%get3A_42, %get3A_43, %get3A_44] : memref<1x1x1024xf32, #tpu.memory_space<vmem>>, vector<1x1x1024xf32>
      %get3A_46 = vector.shape_cast %get3A_45 : vector<1x1x1024xf32> to vector<1x1024xf32>
      %get3A_47 = arith.constant 0 : index
      %get3A_48 = arith.constant 0 : index
      %get3A_49 = arith.constant 0 : index
      %get3A_50 = vector.load %arg7[%get3A_47, %get3A_48, %get3A_49] : memref<1x1x1024xf32, #tpu.memory_space<vmem>>, vector<1x1x1024xf32>
      %get3A_51 = vector.shape_cast %get3A_50 : vector<1x1x1024xf32> to vector<1x1024xf32>
      %get3A_52 = arith.constant 0 : index
      %get3A_53 = arith.constant 0 : index
      %get3A_54 = arith.constant 0 : index
      %get3A_55 = vector.load %arg8[%get3A_52, %get3A_53, %get3A_54] : memref<1x1x1024xf32, #tpu.memory_space<vmem>>, vector<1x1x1024xf32>
      %get3A_56 = vector.shape_cast %get3A_55 : vector<1x1x1024xf32> to vector<1x1024xf32>
      %dot_general3A = arith.constant dense<0.000000e+00> : vector<64x1024xf32>
      %dot_general3A_57 = tpu.matmul %convert_element_type3A_27, %get3A_7, %dot_general3A {dimension_numbers = #tpu.dot_dimension_numbers<[1], [0], [0], [1], [0, 0, 1, 1], [], []>, transpose_lhs_hint = false} : vector<64x1024xbf16>, vector<1024x1024xbf16>, vector<64x1024xf32> -> vector<64x1024xf32>
      %add3A = vector.broadcast %get3A_46 : vector<1x1024xf32> to vector<64x1024xf32>
      %add3A_58 = arith.addf %dot_general3A_57, %add3A : vector<64x1024xf32>
      %reduce_sum3A = arith.constant dense<0.000000e+00> : vector<64xf32>
      %reduce_sum3A_59 = vector.multi_reduction <add>, %add3A_58, %reduce_sum3A [1] : vector<64x1024xf32> to vector<64xf32>
      %broadcast_in_dim3A = vector.shape_cast %reduce_sum3A_59 : vector<64xf32> to vector<64x1xf32>
      %div3A = arith.constant 1.024000e+03 : f32
      %div3A_60 = vector.broadcast %div3A : f32 to vector<64x1xf32>
      %div3A_61 = arith.divf %broadcast_in_dim3A, %div3A_60 : vector<64x1xf32>
      %sub3A = vector.broadcast %div3A_61 : vector<64x1xf32> to vector<64x1024xf32>
      %sub3A_62 = arith.subf %add3A_58, %sub3A : vector<64x1024xf32>
      %mul3A = arith.mulf %sub3A_62, %sub3A_62 : vector<64x1024xf32>
      %reduce_sum3A_63 = arith.constant dense<0.000000e+00> : vector<64xf32>
      %reduce_sum3A_64 = vector.multi_reduction <add>, %mul3A, %reduce_sum3A_63 [1] : vector<64x1024xf32> to vector<64xf32>
      %broadcast_in_dim3A_65 = vector.shape_cast %reduce_sum3A_64 : vector<64xf32> to vector<64x1xf32>
      %div3A_66 = arith.constant 1.024000e+03 : f32
      %div3A_67 = vector.broadcast %div3A_66 : f32 to vector<64x1xf32>
      %div3A_68 = arith.divf %broadcast_in_dim3A_65, %div3A_67 : vector<64x1xf32>
      %add3A_69 = arith.constant 9.99999974E-6 : f32
      %add3A_70 = vector.broadcast %add3A_69 : f32 to vector<64x1xf32>
      %add3A_71 = arith.addf %div3A_68, %add3A_70 : vector<64x1xf32>
      %rsqrt3A = math.rsqrt %add3A_71 : vector<64x1xf32>
      %mul3A_72 = vector.broadcast %rsqrt3A : vector<64x1xf32> to vector<64x1024xf32>
      %mul3A_73 = arith.mulf %sub3A_62, %mul3A_72 : vector<64x1024xf32>
      %mul3A_74 = vector.broadcast %get3A_51 : vector<1x1024xf32> to vector<64x1024xf32>
      %mul3A_75 = arith.mulf %mul3A_73, %mul3A_74 : vector<64x1024xf32>
      %add3A_76 = vector.broadcast %get3A_56 : vector<1x1024xf32> to vector<64x1024xf32>
      %add3A_77 = arith.addf %mul3A_75, %add3A_76 : vector<64x1024xf32>
      %mul3A_78 = arith.constant 5.000000e-01 : f32
      %mul3A_79 = vector.broadcast %mul3A_78 : f32 to vector<64x1024xf32>
      %mul3A_80 = arith.mulf %mul3A_79, %add3A_77 : vector<64x1024xf32>
      %mul3A_81 = arith.constant 0.707106769 : f32
      %mul3A_82 = vector.broadcast %mul3A_81 : f32 to vector<64x1024xf32>
      %mul3A_83 = arith.mulf %add3A_77, %mul3A_82 : vector<64x1024xf32>
      %erf3A = math.erf %mul3A_83 : vector<64x1024xf32>
      %add3A_84 = arith.constant 1.000000e+00 : f32
      %add3A_85 = vector.broadcast %add3A_84 : f32 to vector<64x1024xf32>
      %add3A_86 = arith.addf %add3A_85, %erf3A : vector<64x1024xf32>
      %mul3A_87 = arith.mulf %mul3A_80, %add3A_86 : vector<64x1024xf32>
      %convert_element_type3A_88 = arith.truncf %mul3A_87 : vector<64x1024xf32> to vector<64x1024xbf16>
      %get3A_89 = arith.constant 0 : index
      %get3A_90 = arith.constant 0 : index
      %get3A_91 = arith.constant 0 : index
      %get3A_92 = vector.load %arg6[%get3A_89, %get3A_90, %get3A_91] : memref<1x1x1024xf32, #tpu.memory_space<vmem>>, vector<1x1x1024xf32>
      %get3A_93 = vector.shape_cast %get3A_92 : vector<1x1x1024xf32> to vector<1x1024xf32>
      %get3A_94 = arith.constant 0 : index
      %get3A_95 = arith.constant 0 : index
      %get3A_96 = arith.constant 0 : index
      %get3A_97 = vector.load %arg7[%get3A_94, %get3A_95, %get3A_96] : memref<1x1x1024xf32, #tpu.memory_space<vmem>>, vector<1x1x1024xf32>
      %get3A_98 = vector.shape_cast %get3A_97 : vector<1x1x1024xf32> to vector<1x1024xf32>
      %get3A_99 = arith.constant 0 : index
      %get3A_100 = arith.constant 0 : index
      %get3A_101 = arith.constant 0 : index
      %get3A_102 = vector.load %arg8[%get3A_99, %get3A_100, %get3A_101] : memref<1x1x1024xf32, #tpu.memory_space<vmem>>, vector<1x1x1024xf32>
      %get3A_103 = vector.shape_cast %get3A_102 : vector<1x1x1024xf32> to vector<1x1024xf32>
      %dot_general3A_104 = arith.constant dense<0.000000e+00> : vector<64x1024xf32>
      %dot_general3A_105 = tpu.matmul %convert_element_type3A_41, %get3A_7, %dot_general3A_104 {dimension_numbers = #tpu.dot_dimension_numbers<[1], [0], [0], [1], [0, 0, 1, 1], [], []>, transpose_lhs_hint = false} : vector<64x1024xbf16>, vector<1024x1024xbf16>, vector<64x1024xf32> -> vector<64x1024xf32>
      %add3A_106 = vector.broadcast %get3A_93 : vector<1x1024xf32> to vector<64x1024xf32>
      %add3A_107 = arith.addf %dot_general3A_105, %add3A_106 : vector<64x1024xf32>
      %reduce_sum3A_108 = arith.constant dense<0.000000e+00> : vector<64xf32>
      %reduce_sum3A_109 = vector.multi_reduction <add>, %add3A_107, %reduce_sum3A_108 [1] : vector<64x1024xf32> to vector<64xf32>
      %broadcast_in_dim3A_110 = vector.shape_cast %reduce_sum3A_109 : vector<64xf32> to vector<64x1xf32>
      %div3A_111 = arith.constant 1.024000e+03 : f32
      %div3A_112 = vector.broadcast %div3A_111 : f32 to vector<64x1xf32>
      %div3A_113 = arith.divf %broadcast_in_dim3A_110, %div3A_112 : vector<64x1xf32>
      %sub3A_114 = vector.broadcast %div3A_113 : vector<64x1xf32> to vector<64x1024xf32>
      %sub3A_115 = arith.subf %add3A_107, %sub3A_114 : vector<64x1024xf32>
      %mul3A_116 = arith.mulf %sub3A_115, %sub3A_115 : vector<64x1024xf32>
      %reduce_sum3A_117 = arith.constant dense<0.000000e+00> : vector<64xf32>
      %reduce_sum3A_118 = vector.multi_reduction <add>, %mul3A_116, %reduce_sum3A_117 [1] : vector<64x1024xf32> to vector<64xf32>
      %broadcast_in_dim3A_119 = vector.shape_cast %reduce_sum3A_118 : vector<64xf32> to vector<64x1xf32>
      %div3A_120 = arith.constant 1.024000e+03 : f32
      %div3A_121 = vector.broadcast %div3A_120 : f32 to vector<64x1xf32>
      %div3A_122 = arith.divf %broadcast_in_dim3A_119, %div3A_121 : vector<64x1xf32>
      %add3A_123 = arith.constant 9.99999974E-6 : f32
      %add3A_124 = vector.broadcast %add3A_123 : f32 to vector<64x1xf32>
      %add3A_125 = arith.addf %div3A_122, %add3A_124 : vector<64x1xf32>
      %rsqrt3A_126 = math.rsqrt %add3A_125 : vector<64x1xf32>
      %mul3A_127 = vector.broadcast %rsqrt3A_126 : vector<64x1xf32> to vector<64x1024xf32>
      %mul3A_128 = arith.mulf %sub3A_115, %mul3A_127 : vector<64x1024xf32>
      %mul3A_129 = vector.broadcast %get3A_98 : vector<1x1024xf32> to vector<64x1024xf32>
      %mul3A_130 = arith.mulf %mul3A_128, %mul3A_129 : vector<64x1024xf32>
      %add3A_131 = vector.broadcast %get3A_103 : vector<1x1024xf32> to vector<64x1024xf32>
      %add3A_132 = arith.addf %mul3A_130, %add3A_131 : vector<64x1024xf32>
      %mul3A_133 = arith.constant 5.000000e-01 : f32
      %mul3A_134 = vector.broadcast %mul3A_133 : f32 to vector<64x1024xf32>
      %mul3A_135 = arith.mulf %mul3A_134, %add3A_132 : vector<64x1024xf32>
      %mul3A_136 = arith.constant 0.707106769 : f32
      %mul3A_137 = vector.broadcast %mul3A_136 : f32 to vector<64x1024xf32>
      %mul3A_138 = arith.mulf %add3A_132, %mul3A_137 : vector<64x1024xf32>
      %erf3A_139 = math.erf %mul3A_138 : vector<64x1024xf32>
      %add3A_140 = arith.constant 1.000000e+00 : f32
      %add3A_141 = vector.broadcast %add3A_140 : f32 to vector<64x1024xf32>
      %add3A_142 = arith.addf %add3A_141, %erf3A_139 : vector<64x1024xf32>
      %mul3A_143 = arith.mulf %mul3A_135, %add3A_142 : vector<64x1024xf32>
      %convert_element_type3A_144 = arith.truncf %mul3A_143 : vector<64x1024xf32> to vector<64x1024xbf16>
      %get3A_145 = arith.constant 0 : index
      %get3A_146 = arith.constant 0 : index
      %get3A_147 = arith.constant 0 : index
      %get3A_148 = vector.load %arg10[%get3A_145, %get3A_146, %get3A_147] : memref<1x1x1024xf32, #tpu.memory_space<vmem>>, vector<1x1x1024xf32>
      %get3A_149 = vector.shape_cast %get3A_148 : vector<1x1x1024xf32> to vector<1x1024xf32>
      %get3A_150 = arith.constant 0 : index
      %get3A_151 = arith.constant 0 : index
      %get3A_152 = arith.constant 0 : index
      %get3A_153 = vector.load %arg11[%get3A_150, %get3A_151, %get3A_152] : memref<1x1x1024xf32, #tpu.memory_space<vmem>>, vector<1x1x1024xf32>
      %get3A_154 = vector.shape_cast %get3A_153 : vector<1x1x1024xf32> to vector<1x1024xf32>
      %get3A_155 = arith.constant 0 : index
      %get3A_156 = arith.constant 0 : index
      %get3A_157 = arith.constant 0 : index
      %get3A_158 = vector.load %arg12[%get3A_155, %get3A_156, %get3A_157] : memref<1x1x1024xf32, #tpu.memory_space<vmem>>, vector<1x1x1024xf32>
      %get3A_159 = vector.shape_cast %get3A_158 : vector<1x1x1024xf32> to vector<1x1024xf32>
      %dot_general3A_160 = arith.constant dense<0.000000e+00> : vector<64x1024xf32>
      %dot_general3A_161 = tpu.matmul %convert_element_type3A_88, %get3A_12, %dot_general3A_160 {dimension_numbers = #tpu.dot_dimension_numbers<[1], [0], [0], [1], [0, 0, 1, 1], [], []>, transpose_lhs_hint = false} : vector<64x1024xbf16>, vector<1024x1024xbf16>, vector<64x1024xf32> -> vector<64x1024xf32>
      %add3A_162 = vector.broadcast %get3A_149 : vector<1x1024xf32> to vector<64x1024xf32>
      %add3A_163 = arith.addf %dot_general3A_161, %add3A_162 : vector<64x1024xf32>
      %reduce_sum3A_164 = arith.constant dense<0.000000e+00> : vector<64xf32>
      %reduce_sum3A_165 = vector.multi_reduction <add>, %add3A_163, %reduce_sum3A_164 [1] : vector<64x1024xf32> to vector<64xf32>
      %broadcast_in_dim3A_166 = vector.shape_cast %reduce_sum3A_165 : vector<64xf32> to vector<64x1xf32>
      %div3A_167 = arith.constant 1.024000e+03 : f32
      %div3A_168 = vector.broadcast %div3A_167 : f32 to vector<64x1xf32>
      %div3A_169 = arith.divf %broadcast_in_dim3A_166, %div3A_168 : vector<64x1xf32>
      %sub3A_170 = vector.broadcast %div3A_169 : vector<64x1xf32> to vector<64x1024xf32>
      %sub3A_171 = arith.subf %add3A_163, %sub3A_170 : vector<64x1024xf32>
      %mul3A_172 = arith.mulf %sub3A_171, %sub3A_171 : vector<64x1024xf32>
      %reduce_sum3A_173 = arith.constant dense<0.000000e+00> : vector<64xf32>
      %reduce_sum3A_174 = vector.multi_reduction <add>, %mul3A_172, %reduce_sum3A_173 [1] : vector<64x1024xf32> to vector<64xf32>
      %broadcast_in_dim3A_175 = vector.shape_cast %reduce_sum3A_174 : vector<64xf32> to vector<64x1xf32>
      %div3A_176 = arith.constant 1.024000e+03 : f32
      %div3A_177 = vector.broadcast %div3A_176 : f32 to vector<64x1xf32>
      %div3A_178 = arith.divf %broadcast_in_dim3A_175, %div3A_177 : vector<64x1xf32>
      %add3A_179 = arith.constant 9.99999974E-6 : f32
      %add3A_180 = vector.broadcast %add3A_179 : f32 to vector<64x1xf32>
      %add3A_181 = arith.addf %div3A_178, %add3A_180 : vector<64x1xf32>
      %rsqrt3A_182 = math.rsqrt %add3A_181 : vector<64x1xf32>
      %mul3A_183 = vector.broadcast %rsqrt3A_182 : vector<64x1xf32> to vector<64x1024xf32>
      %mul3A_184 = arith.mulf %sub3A_171, %mul3A_183 : vector<64x1024xf32>
      %mul3A_185 = vector.broadcast %get3A_154 : vector<1x1024xf32> to vector<64x1024xf32>
      %mul3A_186 = arith.mulf %mul3A_184, %mul3A_185 : vector<64x1024xf32>
      %add3A_187 = vector.broadcast %get3A_159 : vector<1x1024xf32> to vector<64x1024xf32>
      %add3A_188 = arith.addf %mul3A_186, %add3A_187 : vector<64x1024xf32>
      %mul3A_189 = arith.constant 5.000000e-01 : f32
      %mul3A_190 = vector.broadcast %mul3A_189 : f32 to vector<64x1024xf32>
      %mul3A_191 = arith.mulf %mul3A_190, %add3A_188 : vector<64x1024xf32>
      %mul3A_192 = arith.constant 0.707106769 : f32
      %mul3A_193 = vector.broadcast %mul3A_192 : f32 to vector<64x1024xf32>
      %mul3A_194 = arith.mulf %add3A_188, %mul3A_193 : vector<64x1024xf32>
      %erf3A_195 = math.erf %mul3A_194 : vector<64x1024xf32>
      %add3A_196 = arith.constant 1.000000e+00 : f32
      %add3A_197 = vector.broadcast %add3A_196 : f32 to vector<64x1024xf32>
      %add3A_198 = arith.addf %add3A_197, %erf3A_195 : vector<64x1024xf32>
      %mul3A_199 = arith.mulf %mul3A_191, %add3A_198 : vector<64x1024xf32>
      %convert_element_type3A_200 = arith.truncf %mul3A_199 : vector<64x1024xf32> to vector<64x1024xbf16>
      %get3A_201 = arith.constant 0 : index
      %get3A_202 = arith.constant 0 : index
      %get3A_203 = arith.constant 0 : index
      %get3A_204 = vector.load %arg10[%get3A_201, %get3A_202, %get3A_203] : memref<1x1x1024xf32, #tpu.memory_space<vmem>>, vector<1x1x1024xf32>
      %get3A_205 = vector.shape_cast %get3A_204 : vector<1x1x1024xf32> to vector<1x1024xf32>
      %get3A_206 = arith.constant 0 : index
      %get3A_207 = arith.constant 0 : index
      %get3A_208 = arith.constant 0 : index
      %get3A_209 = vector.load %arg11[%get3A_206, %get3A_207, %get3A_208] : memref<1x1x1024xf32, #tpu.memory_space<vmem>>, vector<1x1x1024xf32>
      %get3A_210 = vector.shape_cast %get3A_209 : vector<1x1x1024xf32> to vector<1x1024xf32>
      %get3A_211 = arith.constant 0 : index
      %get3A_212 = arith.constant 0 : index
      %get3A_213 = arith.constant 0 : index
      %get3A_214 = vector.load %arg12[%get3A_211, %get3A_212, %get3A_213] : memref<1x1x1024xf32, #tpu.memory_space<vmem>>, vector<1x1x1024xf32>
      %get3A_215 = vector.shape_cast %get3A_214 : vector<1x1x1024xf32> to vector<1x1024xf32>
      %dot_general3A_216 = arith.constant dense<0.000000e+00> : vector<64x1024xf32>
      %dot_general3A_217 = tpu.matmul %convert_element_type3A_144, %get3A_12, %dot_general3A_216 {dimension_numbers = #tpu.dot_dimension_numbers<[1], [0], [0], [1], [0, 0, 1, 1], [], []>, transpose_lhs_hint = false} : vector<64x1024xbf16>, vector<1024x1024xbf16>, vector<64x1024xf32> -> vector<64x1024xf32>
      %add3A_218 = vector.broadcast %get3A_205 : vector<1x1024xf32> to vector<64x1024xf32>
      %add3A_219 = arith.addf %dot_general3A_217, %add3A_218 : vector<64x1024xf32>
      %reduce_sum3A_220 = arith.constant dense<0.000000e+00> : vector<64xf32>
      %reduce_sum3A_221 = vector.multi_reduction <add>, %add3A_219, %reduce_sum3A_220 [1] : vector<64x1024xf32> to vector<64xf32>
      %broadcast_in_dim3A_222 = vector.shape_cast %reduce_sum3A_221 : vector<64xf32> to vector<64x1xf32>
      %div3A_223 = arith.constant 1.024000e+03 : f32
      %div3A_224 = vector.broadcast %div3A_223 : f32 to vector<64x1xf32>
      %div3A_225 = arith.divf %broadcast_in_dim3A_222, %div3A_224 : vector<64x1xf32>
      %sub3A_226 = vector.broadcast %div3A_225 : vector<64x1xf32> to vector<64x1024xf32>
      %sub3A_227 = arith.subf %add3A_219, %sub3A_226 : vector<64x1024xf32>
      %mul3A_228 = arith.mulf %sub3A_227, %sub3A_227 : vector<64x1024xf32>
      %reduce_sum3A_229 = arith.constant dense<0.000000e+00> : vector<64xf32>
      %reduce_sum3A_230 = vector.multi_reduction <add>, %mul3A_228, %reduce_sum3A_229 [1] : vector<64x1024xf32> to vector<64xf32>
      %broadcast_in_dim3A_231 = vector.shape_cast %reduce_sum3A_230 : vector<64xf32> to vector<64x1xf32>
      %div3A_232 = arith.constant 1.024000e+03 : f32
      %div3A_233 = vector.broadcast %div3A_232 : f32 to vector<64x1xf32>
      %div3A_234 = arith.divf %broadcast_in_dim3A_231, %div3A_233 : vector<64x1xf32>
      %add3A_235 = arith.constant 9.99999974E-6 : f32
      %add3A_236 = vector.broadcast %add3A_235 : f32 to vector<64x1xf32>
      %add3A_237 = arith.addf %div3A_234, %add3A_236 : vector<64x1xf32>
      %rsqrt3A_238 = math.rsqrt %add3A_237 : vector<64x1xf32>
      %mul3A_239 = vector.broadcast %rsqrt3A_238 : vector<64x1xf32> to vector<64x1024xf32>
      %mul3A_240 = arith.mulf %sub3A_227, %mul3A_239 : vector<64x1024xf32>
      %mul3A_241 = vector.broadcast %get3A_210 : vector<1x1024xf32> to vector<64x1024xf32>
      %mul3A_242 = arith.mulf %mul3A_240, %mul3A_241 : vector<64x1024xf32>
      %add3A_243 = vector.broadcast %get3A_215 : vector<1x1024xf32> to vector<64x1024xf32>
      %add3A_244 = arith.addf %mul3A_242, %add3A_243 : vector<64x1024xf32>
      %mul3A_245 = arith.constant 5.000000e-01 : f32
      %mul3A_246 = vector.broadcast %mul3A_245 : f32 to vector<64x1024xf32>
      %mul3A_247 = arith.mulf %mul3A_246, %add3A_244 : vector<64x1024xf32>
      %mul3A_248 = arith.constant 0.707106769 : f32
      %mul3A_249 = vector.broadcast %mul3A_248 : f32 to vector<64x1024xf32>
      %mul3A_250 = arith.mulf %add3A_244, %mul3A_249 : vector<64x1024xf32>
      %erf3A_251 = math.erf %mul3A_250 : vector<64x1024xf32>
      %add3A_252 = arith.constant 1.000000e+00 : f32
      %add3A_253 = vector.broadcast %add3A_252 : f32 to vector<64x1024xf32>
      %add3A_254 = arith.addf %add3A_253, %erf3A_251 : vector<64x1024xf32>
      %mul3A_255 = arith.mulf %mul3A_247, %add3A_254 : vector<64x1024xf32>
      %convert_element_type3A_256 = arith.truncf %mul3A_255 : vector<64x1024xf32> to vector<64x1024xbf16>
      %dot_general3A_257 = arith.constant dense<0.000000e+00> : vector<64x1024xf32>
      %dot_general3A_258 = tpu.matmul %convert_element_type3A_200, %get3A_17, %dot_general3A_257 {dimension_numbers = #tpu.dot_dimension_numbers<[1], [0], [0], [1], [0, 0, 1, 1], [], []>, transpose_lhs_hint = false} : vector<64x1024xbf16>, vector<1024x1024xbf16>, vector<64x1024xf32> -> vector<64x1024xf32>
      %get3A_259 = arith.constant 0 : index
      %get3A_260 = arith.constant 0 : index
      %get3A_261 = arith.constant 0 : index
      %get3A_262 = vector.load %arg14[%get3A_259, %get3A_260, %get3A_261] : memref<1x1x1024xf32, #tpu.memory_space<vmem>>, vector<1x1x1024xf32>
      %get3A_263 = vector.shape_cast %get3A_262 : vector<1x1x1024xf32> to vector<1x1024xf32>
      %add3A_264 = vector.broadcast %get3A_263 : vector<1x1024xf32> to vector<64x1024xf32>
      %add3A_265 = arith.addf %dot_general3A_258, %add3A_264 : vector<64x1024xf32>
      %slice3A = vector.extract_strided_slice %add3A_265 {offsets = [0, 0], sizes = [64, 512], strides = [1, 1]} : vector<64x1024xf32> to vector<64x512xf32>
      %bitcast_convert_type3A_266 = tpu.bitcast %slice3A : vector<64x512xf32> -> vector<64x512xi32>
      %add3A_267 = arith.constant 32767 : i32
      %add3A_268 = vector.broadcast %add3A_267 : i32 to vector<64x512xi32>
      %add3A_269 = arith.addi %bitcast_convert_type3A_266, %add3A_268 : vector<64x512xi32>
      %shift_right_logical3A = arith.constant 16 : i32
      %shift_right_logical3A_270 = vector.broadcast %shift_right_logical3A : i32 to vector<64x512xi32>
      %shift_right_logical3A_271 = arith.shrui %bitcast_convert_type3A_266, %shift_right_logical3A_270 : vector<64x512xi32>
      %and3A_272 = arith.constant 1 : i32
      %and3A_273 = vector.broadcast %and3A_272 : i32 to vector<64x512xi32>
      %and3A_274 = arith.andi %shift_right_logical3A_271, %and3A_273 : vector<64x512xi32>
      %add3A_275 = arith.addi %add3A_269, %and3A_274 : vector<64x512xi32>
      %shift_right_logical3A_276 = arith.constant 16 : i32
      %shift_right_logical3A_277 = vector.broadcast %shift_right_logical3A_276 : i32 to vector<64x512xi32>
      %shift_right_logical3A_278 = arith.shrui %add3A_275, %shift_right_logical3A_277 : vector<64x512xi32>
      %slice3A_279 = vector.extract_strided_slice %add3A_265 {offsets = [0, 512], sizes = [64, 512], strides = [1, 1]} : vector<64x1024xf32> to vector<64x512xf32>
      %bitcast_convert_type3A_280 = tpu.bitcast %slice3A_279 : vector<64x512xf32> -> vector<64x512xi32>
      %add3A_281 = arith.constant 32767 : i32
      %add3A_282 = vector.broadcast %add3A_281 : i32 to vector<64x512xi32>
      %add3A_283 = arith.addi %bitcast_convert_type3A_280, %add3A_282 : vector<64x512xi32>
      %shift_right_logical3A_284 = arith.constant 16 : i32
      %shift_right_logical3A_285 = vector.broadcast %shift_right_logical3A_284 : i32 to vector<64x512xi32>
      %shift_right_logical3A_286 = arith.shrui %bitcast_convert_type3A_280, %shift_right_logical3A_285 : vector<64x512xi32>
      %and3A_287 = arith.constant 1 : i32
      %and3A_288 = vector.broadcast %and3A_287 : i32 to vector<64x512xi32>
      %and3A_289 = arith.andi %shift_right_logical3A_286, %and3A_288 : vector<64x512xi32>
      %add3A_290 = arith.addi %add3A_283, %and3A_289 : vector<64x512xi32>
      %and3A_291 = arith.constant -65536 : i32
      %and3A_292 = vector.broadcast %and3A_291 : i32 to vector<64x512xi32>
      %and3A_293 = arith.andi %add3A_290, %and3A_292 : vector<64x512xi32>
      %or3A = arith.ori %shift_right_logical3A_278, %and3A_293 : vector<64x512xi32>
      %bitcast_convert_type3A_294 = tpu.bitcast %or3A : vector<64x512xi32> -> vector<64x512xi32>
      %swap3A = arith.constant 0 : index
      %swap3A_295 = arith.constant 0 : index
      %swap3A_296 = vector.load %arg15[%swap3A, %swap3A_295] : memref<128x512xi32, #tpu.memory_space<vmem>>, vector<64x512xi32>
      tpu.vector_store %arg15[%swap3A, %swap3A_295], %bitcast_convert_type3A_294 {strides = array<i32>} : memref<128x512xi32, #tpu.memory_space<vmem>>, vector<64x512xi32>,
      %dot_general3A_297 = arith.constant dense<0.000000e+00> : vector<64x1024xf32>
      %dot_general3A_298 = tpu.matmul %convert_element_type3A_256, %get3A_17, %dot_general3A_297 {dimension_numbers = #tpu.dot_dimension_numbers<[1], [0], [0], [1], [0, 0, 1, 1], [], []>, transpose_lhs_hint = false} : vector<64x1024xbf16>, vector<1024x1024xbf16>, vector<64x1024xf32> -> vector<64x1024xf32>
      %get3A_299 = arith.constant 0 : index
      %get3A_300 = arith.constant 0 : index
      %get3A_301 = arith.constant 0 : index
      %get3A_302 = vector.load %arg14[%get3A_299, %get3A_300, %get3A_301] : memref<1x1x1024xf32, #tpu.memory_space<vmem>>, vector<1x1x1024xf32>
      %get3A_303 = vector.shape_cast %get3A_302 : vector<1x1x1024xf32> to vector<1x1024xf32>
      %add3A_304 = vector.broadcast %get3A_303 : vector<1x1024xf32> to vector<64x1024xf32>
      %add3A_305 = arith.addf %dot_general3A_298, %add3A_304 : vector<64x1024xf32>
      %slice3A_306 = vector.extract_strided_slice %add3A_305 {offsets = [0, 0], sizes = [64, 512], strides = [1, 1]} : vector<64x1024xf32> to vector<64x512xf32>
      %bitcast_convert_type3A_307 = tpu.bitcast %slice3A_306 : vector<64x512xf32> -> vector<64x512xi32>
      %add3A_308 = arith.constant 32767 : i32
      %add3A_309 = vector.broadcast %add3A_308 : i32 to vector<64x512xi32>
      %add3A_310 = arith.addi %bitcast_convert_type3A_307, %add3A_309 : vector<64x512xi32>
      %shift_right_logical3A_311 = arith.constant 16 : i32
      %shift_right_logical3A_312 = vector.broadcast %shift_right_logical3A_311 : i32 to vector<64x512xi32>
      %shift_right_logical3A_313 = arith.shrui %bitcast_convert_type3A_307, %shift_right_logical3A_312 : vector<64x512xi32>
      %and3A_314 = arith.constant 1 : i32
      %and3A_315 = vector.broadcast %and3A_314 : i32 to vector<64x512xi32>
      %and3A_316 = arith.andi %shift_right_logical3A_313, %and3A_315 : vector<64x512xi32>
      %add3A_317 = arith.addi %add3A_310, %and3A_316 : vector<64x512xi32>
      %shift_right_logical3A_318 = arith.constant 16 : i32
      %shift_right_logical3A_319 = vector.broadcast %shift_right_logical3A_318 : i32 to vector<64x512xi32>
      %shift_right_logical3A_320 = arith.shrui %add3A_317, %shift_right_logical3A_319 : vector<64x512xi32>
      %slice3A_321 = vector.extract_strided_slice %add3A_305 {offsets = [0, 512], sizes = [64, 512], strides = [1, 1]} : vector<64x1024xf32> to vector<64x512xf32>
      %bitcast_convert_type3A_322 = tpu.bitcast %slice3A_321 : vector<64x512xf32> -> vector<64x512xi32>
      %add3A_323 = arith.constant 32767 : i32
      %add3A_324 = vector.broadcast %add3A_323 : i32 to vector<64x512xi32>
      %add3A_325 = arith.addi %bitcast_convert_type3A_322, %add3A_324 : vector<64x512xi32>
      %shift_right_logical3A_326 = arith.constant 16 : i32
      %shift_right_logical3A_327 = vector.broadcast %shift_right_logical3A_326 : i32 to vector<64x512xi32>
      %shift_right_logical3A_328 = arith.shrui %bitcast_convert_type3A_322, %shift_right_logical3A_327 : vector<64x512xi32>
      %and3A_329 = arith.constant 1 : i32
      %and3A_330 = vector.broadcast %and3A_329 : i32 to vector<64x512xi32>
      %and3A_331 = arith.andi %shift_right_logical3A_328, %and3A_330 : vector<64x512xi32>
      %add3A_332 = arith.addi %add3A_325, %and3A_331 : vector<64x512xi32>
      %and3A_333 = arith.constant -65536 : i32
      %and3A_334 = vector.broadcast %and3A_333 : i32 to vector<64x512xi32>
      %and3A_335 = arith.andi %add3A_332, %and3A_334 : vector<64x512xi32>
      %or3A_336 = arith.ori %shift_right_logical3A_320, %and3A_335 : vector<64x512xi32>
      %bitcast_convert_type3A_337 = tpu.bitcast %or3A_336 : vector<64x512xi32> -> vector<64x512xi32>
      %swap3A_338 = arith.constant 64 : index
      %swap3A_339 = arith.constant 0 : index
      %swap3A_340 = vector.load %arg15[%swap3A_338, %swap3A_339] : memref<128x512xi32, #tpu.memory_space<vmem>>, vector<64x512xi32>
      tpu.vector_store %arg15[%swap3A_338, %swap3A_339], %bitcast_convert_type3A_337 {strides = array<i32>} : memref<128x512xi32, #tpu.memory_space<vmem>>, vector<64x512xi32>,
    } else {
    }
    return
  }
  func.func @transform_0(%arg0: i32, %arg1: memref<40xi32, #tpu.memory_space<smem>>, %arg2: memref<40xi32, #tpu.memory_space<smem>>, %arg3: memref<40xi32, #tpu.memory_space<smem>>) -> (i32, i32) {
    %get3A = arith.index_cast %arg0 : i32 to index
    %get3A_0 = memref.load %arg2[%get3A] : memref<40xi32, #tpu.memory_space<smem>>
    %c0_i32 = arith.constant 0 : i32
    %c0_i32_1 = arith.constant 0 : i32
    return %get3A_0, %c0_i32 : i32, i32
  }
  func.func @transform_1(%arg0: i32, %arg1: memref<40xi32, #tpu.memory_space<smem>>, %arg2: memref<40xi32, #tpu.memory_space<smem>>, %arg3: memref<40xi32, #tpu.memory_space<smem>>) -> (i32, i32, i32) {
    %get3A = arith.index_cast %arg0 : i32 to index
    %get3A_0 = memref.load %arg1[%get3A] : memref<40xi32, #tpu.memory_space<smem>>
    %c0_i32 = arith.constant 0 : i32
    %c0_i32_1 = arith.constant 0 : i32
    %c0_i32_2 = arith.constant 0 : i32
    return %get3A_0, %c0_i32, %c0_i32_1 : i32, i32, i32
  }
  func.func @transform_2(%arg0: i32, %arg1: memref<40xi32, #tpu.memory_space<smem>>, %arg2: memref<40xi32, #tpu.memory_space<smem>>, %arg3: memref<40xi32, #tpu.memory_space<smem>>) -> (i32, i32, i32) {
    %get3A = arith.index_cast %arg0 : i32 to index
    %get3A_0 = memref.load %arg1[%get3A] : memref<40xi32, #tpu.memory_space<smem>>
    %c0_i32 = arith.constant 0 : i32
    %c0_i32_1 = arith.constant 0 : i32
    %c0_i32_2 = arith.constant 0 : i32
    return %get3A_0, %c0_i32, %c0_i32_1 : i32, i32, i32
  }
  func.func @transform_3(%arg0: i32, %arg1: memref<40xi32, #tpu.memory_space<smem>>, %arg2: memref<40xi32, #tpu.memory_space<smem>>, %arg3: memref<40xi32, #tpu.memory_space<smem>>) -> (i32, i32, i32) {
    %get3A = arith.index_cast %arg0 : i32 to index
    %get3A_0 = memref.load %arg1[%get3A] : memref<40xi32, #tpu.memory_space<smem>>
    %c0_i32 = arith.constant 0 : i32
    %c0_i32_1 = arith.constant 0 : i32
    %c0_i32_2 = arith.constant 0 : i32
    return %get3A_0, %c0_i32, %c0_i32_1 : i32, i32, i32
  }
  func.func @transform_4(%arg0: i32, %arg1: memref<40xi32, #tpu.memory_space<smem>>, %arg2: memref<40xi32, #tpu.memory_space<smem>>, %arg3: memref<40xi32, #tpu.memory_space<smem>>) -> (i32, i32, i32) {
    %get3A = arith.index_cast %arg0 : i32 to index
    %get3A_0 = memref.load %arg1[%get3A] : memref<40xi32, #tpu.memory_space<smem>>
    %c0_i32 = arith.constant 0 : i32
    %c0_i32_1 = arith.constant 0 : i32
    %c0_i32_2 = arith.constant 0 : i32
    return %get3A_0, %c0_i32, %c0_i32_1 : i32, i32, i32
  }
  func.func @transform_5(%arg0: i32, %arg1: memref<40xi32, #tpu.memory_space<smem>>, %arg2: memref<40xi32, #tpu.memory_space<smem>>, %arg3: memref<40xi32, #tpu.memory_space<smem>>) -> (i32, i32, i32) {
    %get3A = arith.index_cast %arg0 : i32 to index
    %get3A_0 = memref.load %arg1[%get3A] : memref<40xi32, #tpu.memory_space<smem>>
    %c0_i32 = arith.constant 0 : i32
    %c0_i32_1 = arith.constant 0 : i32
    %c0_i32_2 = arith.constant 0 : i32
    return %get3A_0, %c0_i32, %c0_i32_1 : i32, i32, i32
  }
  func.func @transform_6(%arg0: i32, %arg1: memref<40xi32, #tpu.memory_space<smem>>, %arg2: memref<40xi32, #tpu.memory_space<smem>>, %arg3: memref<40xi32, #tpu.memory_space<smem>>) -> (i32, i32, i32) {
    %get3A = arith.index_cast %arg0 : i32 to index
    %get3A_0 = memref.load %arg1[%get3A] : memref<40xi32, #tpu.memory_space<smem>>
    %c0_i32 = arith.constant 0 : i32
    %c0_i32_1 = arith.constant 0 : i32
    %c0_i32_2 = arith.constant 0 : i32
    return %get3A_0, %c0_i32, %c0_i32_1 : i32, i32, i32
  }
  func.func @transform_7(%arg0: i32, %arg1: memref<40xi32, #tpu.memory_space<smem>>, %arg2: memref<40xi32, #tpu.memory_space<smem>>, %arg3: memref<40xi32, #tpu.memory_space<smem>>) -> (i32, i32, i32) {
    %get3A = arith.index_cast %arg0 : i32 to index
    %get3A_0 = memref.load %arg1[%get3A] : memref<40xi32, #tpu.memory_space<smem>>
    %c0_i32 = arith.constant 0 : i32
    %c0_i32_1 = arith.constant 0 : i32
    %c0_i32_2 = arith.constant 0 : i32
    return %get3A_0, %c0_i32, %c0_i32_1 : i32, i32, i32
  }
  func.func @transform_8(%arg0: i32, %arg1: memref<40xi32, #tpu.memory_space<smem>>, %arg2: memref<40xi32, #tpu.memory_space<smem>>, %arg3: memref<40xi32, #tpu.memory_space<smem>>) -> (i32, i32, i32) {
    %get3A = arith.index_cast %arg0 : i32 to index
    %get3A_0 = memref.load %arg1[%get3A] : memref<40xi32, #tpu.memory_space<smem>>
    %c0_i32 = arith.constant 0 : i32
    %c0_i32_1 = arith.constant 0 : i32
    %c0_i32_2 = arith.constant 0 : i32
    return %get3A_0, %c0_i32, %c0_i32_1 : i32, i32, i32
  }
  func.func @transform_9(%arg0: i32, %arg1: memref<40xi32, #tpu.memory_space<smem>>, %arg2: memref<40xi32, #tpu.memory_space<smem>>, %arg3: memref<40xi32, #tpu.memory_space<smem>>) -> (i32, i32, i32) {
    %get3A = arith.index_cast %arg0 : i32 to index
    %get3A_0 = memref.load %arg1[%get3A] : memref<40xi32, #tpu.memory_space<smem>>
    %c0_i32 = arith.constant 0 : i32
    %c0_i32_1 = arith.constant 0 : i32
    %c0_i32_2 = arith.constant 0 : i32
    return %get3A_0, %c0_i32, %c0_i32_1 : i32, i32, i32
  }
  func.func @transform_10(%arg0: i32, %arg1: memref<40xi32, #tpu.memory_space<smem>>, %arg2: memref<40xi32, #tpu.memory_space<smem>>, %arg3: memref<40xi32, #tpu.memory_space<smem>>) -> (i32, i32, i32) {
    %get3A = arith.index_cast %arg0 : i32 to index
    %get3A_0 = memref.load %arg1[%get3A] : memref<40xi32, #tpu.memory_space<smem>>
    %c0_i32 = arith.constant 0 : i32
    %c0_i32_1 = arith.constant 0 : i32
    %c0_i32_2 = arith.constant 0 : i32
    return %get3A_0, %c0_i32, %c0_i32_1 : i32, i32, i32
  }
  func.func @transform_11(%arg0: i32, %arg1: memref<40xi32, #tpu.memory_space<smem>>, %arg2: memref<40xi32, #tpu.memory_space<smem>>, %arg3: memref<40xi32, #tpu.memory_space<smem>>) -> (i32, i32) {
    %get3A = arith.index_cast %arg0 : i32 to index
    %get3A_0 = memref.load %arg2[%get3A] : memref<40xi32, #tpu.memory_space<smem>>
    %c0_i32 = arith.constant 0 : i32
    %c0_i32_1 = arith.constant 0 : i32
    return %get3A_0, %c0_i32 : i32, i32
  }
}

module attributes {stable_mosaic.version = 14 : i64} {
  func.func @_combine_body(%arg0: i32, %arg1: memref<256x512xi32, #tpu.memory_space<vmem>>, %arg2: memref<256x512xi32, #tpu.memory_space<vmem>>, %arg3: memref<256x2xf32, #tpu.memory_space<vmem>>, %arg4: memref<256x1024xf32, #tpu.memory_space<vmem>>) attributes {dimension_semantics = [#tpu.dimension_semantics<arbitrary>], iteration_bounds = array<i64: 8>, scalar_prefetch = 0 : i64, scratch_operands = 0 : i64, tpu.core_type = #tpu.core_type<tc>, window_params = [{transform_indices = @transform_0, window_bounds = array<i64: 256, 512>}, {transform_indices = @transform_1, window_bounds = array<i64: 256, 512>}, {transform_indices = @transform_2, window_bounds = array<i64: 256, 2>}, {transform_indices = @transform_3, window_bounds = array<i64: 256, 1024>}]} {
    %get3A = arith.constant 0 : index
    %get3A_0 = arith.constant 0 : index
    %get3A_1 = vector.load %arg1[%get3A, %get3A_0] : memref<256x512xi32, #tpu.memory_space<vmem>>, vector<256x512xi32>
    %bitcast_convert_type3A = tpu.bitcast %get3A_1 : vector<256x512xi32> -> vector<256x512xi32>
    %shift_left3A = arith.constant 16 : i32
    %shift_left3A_2 = vector.broadcast %shift_left3A : i32 to vector<256x512xi32>
    %shift_left3A_3 = arith.shli %bitcast_convert_type3A, %shift_left3A_2 : vector<256x512xi32>
    %bitcast_convert_type3A_4 = tpu.bitcast %shift_left3A_3 : vector<256x512xi32> -> vector<256x512xf32>
    %and3A = arith.constant -65536 : i32
    %and3A_5 = vector.broadcast %and3A : i32 to vector<256x512xi32>
    %and3A_6 = arith.andi %bitcast_convert_type3A, %and3A_5 : vector<256x512xi32>
    %bitcast_convert_type3A_7 = tpu.bitcast %and3A_6 : vector<256x512xi32> -> vector<256x512xf32>
    %concatenate3A = tpu.concatenate %bitcast_convert_type3A_4, %bitcast_convert_type3A_7 in 1 : vector<256x512xf32>, vector<256x512xf32> -> vector<256x1024xf32>
    %get3A_8 = arith.constant 0 : index
    %get3A_9 = arith.constant 0 : index
    %get3A_10 = vector.load %arg2[%get3A_8, %get3A_9] : memref<256x512xi32, #tpu.memory_space<vmem>>, vector<256x512xi32>
    %bitcast_convert_type3A_11 = tpu.bitcast %get3A_10 : vector<256x512xi32> -> vector<256x512xi32>
    %shift_left3A_12 = arith.constant 16 : i32
    %shift_left3A_13 = vector.broadcast %shift_left3A_12 : i32 to vector<256x512xi32>
    %shift_left3A_14 = arith.shli %bitcast_convert_type3A_11, %shift_left3A_13 : vector<256x512xi32>
    %bitcast_convert_type3A_15 = tpu.bitcast %shift_left3A_14 : vector<256x512xi32> -> vector<256x512xf32>
    %and3A_16 = arith.constant -65536 : i32
    %and3A_17 = vector.broadcast %and3A_16 : i32 to vector<256x512xi32>
    %and3A_18 = arith.andi %bitcast_convert_type3A_11, %and3A_17 : vector<256x512xi32>
    %bitcast_convert_type3A_19 = tpu.bitcast %and3A_18 : vector<256x512xi32> -> vector<256x512xf32>
    %concatenate3A_20 = tpu.concatenate %bitcast_convert_type3A_15, %bitcast_convert_type3A_19 in 1 : vector<256x512xf32>, vector<256x512xf32> -> vector<256x1024xf32>
    %get3A_21 = arith.constant 0 : index
    %get3A_22 = arith.constant 0 : index
    %get3A_23 = vector.load %arg3[%get3A_21, %get3A_22] : memref<256x2xf32, #tpu.memory_space<vmem>>, vector<256x2xf32>
    %slice3A = vector.extract_strided_slice %get3A_23 {offsets = [0, 0], sizes = [256, 1], strides = [1, 1]} : vector<256x2xf32> to vector<256x1xf32>
    %mul3A = vector.broadcast %slice3A : vector<256x1xf32> to vector<256x1024xf32>
    %mul3A_24 = arith.mulf %concatenate3A, %mul3A : vector<256x1024xf32>
    %slice3A_25 = vector.extract_strided_slice %get3A_23 {offsets = [0, 1], sizes = [256, 1], strides = [1, 1]} : vector<256x2xf32> to vector<256x1xf32>
    %mul3A_26 = vector.broadcast %slice3A_25 : vector<256x1xf32> to vector<256x1024xf32>
    %mul3A_27 = arith.mulf %concatenate3A_20, %mul3A_26 : vector<256x1024xf32>
    %add3A = arith.addf %mul3A_24, %mul3A_27 : vector<256x1024xf32>
    %swap3A = arith.constant 0 : index
    %swap3A_28 = arith.constant 0 : index
    %swap3A_29 = vector.load %arg4[%swap3A, %swap3A_28] : memref<256x1024xf32, #tpu.memory_space<vmem>>, vector<256x1024xf32>
    tpu.vector_store %arg4[%swap3A, %swap3A_28], %add3A {strides = array<i32>} : memref<256x1024xf32, #tpu.memory_space<vmem>>, vector<256x1024xf32>,
    return
  }
  func.func @transform_0(%arg0: i32) -> (i32, i32) {
    %c0_i32 = arith.constant 0 : i32
    %c0_i32_0 = arith.constant 0 : i32
    return %arg0, %c0_i32 : i32, i32
  }
  func.func @transform_1(%arg0: i32) -> (i32, i32) {
    %add3A = arith.constant 8 : i32
    %add3A_0 = arith.addi %arg0, %add3A : i32
    %c0_i32 = arith.constant 0 : i32
    %c0_i32_1 = arith.constant 0 : i32
    return %add3A_0, %c0_i32 : i32, i32
  }
  func.func @transform_2(%arg0: i32) -> (i32, i32) {
    %c0_i32 = arith.constant 0 : i32
    %c0_i32_0 = arith.constant 0 : i32
    return %arg0, %c0_i32 : i32, i32
  }
  func.func @transform_3(%arg0: i32) -> (i32, i32) {
    %c0_i32 = arith.constant 0 : i32
    %c0_i32_0 = arith.constant 0 : i32
    return %arg0, %c0_i32 : i32, i32
  }
}

</mosaic_0001>

<sc_bundles>
// kernel: kernel.10.cloned.1.call-start
scs
__scs_entry_jumppad:
0x0: {  	(pc) =	sbr.rel $0x88, $3  }
0x1: {  	(tag) =	ssettag $0x0;
	lr =	simm.s32 $0x1  }
0x2: {  	[smem:$0x3F92] =	sst lr;
	_ =	strace $0xD0000000  }
0x3: {  	_ = 	snop  }
0x4: {  	_ = 	snop  }
0x5: {  	_ = 	snop  }
0x6: {  	_ = 	snop  }
0x7: {  	_ = 	snop  }
__scs_overlays_trampoline_lowered:
0x8: {  	[smem:$0x3FA1] =	sst s0  }
0x9: {  	[smem:$0x3FA2] =	sst s1  }
0xa: {  	[smem:$0x3FA3] =	sst s2  }
0xb: {  	[smem:$0x3FA4] =	sst s3  }
0xc: {  	[smem:$0x3FA5] =	sst s4  }
0xd: {  	[smem:$0x3FA6] =	sst s5  }
0xe: {  	[smem:$0x3FA7] =	sst s6  }
0xf: {  	[smem:$0x3FA8] =	sst s7  }
0x10: {  	[smem:$0x3FA9] =	sst s8  }
0x11: {  	[smem:$0x3FAA] =	sst s9;
	s0 =	simm.s32 @!p0 $0x0  }
0x12: {  	s1 =	sld [smem:$0x3F90];
	s0 =	simm.s32 @p0 $0x1  }
0x13: {  	[smem:$0x3FAB] =	sst s0;
	s0 =	simm.s32 @!p1 $0x0  }
0x14: {  	s2 =	sld [smem:$0x3F8F];
	s0 =	simm.s32 @p1 $0x1  }
0x15: {  	[smem:$0x3FAC] =	sst s0;
	s0 =	simm.s32 @!p2 $0x0  }
0x16: {  	s3 =	sld [smem:$0x3FDB];
	s0 =	simm.s32 @p2 $0x1  }
0x17: {  	s4 =	simm.s32 $0x1BF5;
	[smem:$0x3FAE] =	sst s0  }
0x18: {  	s0 =	sld [smem:$0x3F91];
	_ =	swait.ge [sflag:s4], $0x0  }
0x19: {  	s7 =	sld [smem:$0x3F92]  }
0x1a: {  	s8 =	sadd.s32 $0xFFFFE003, lr  }
0x1b: {  	s9 =	sadd.s32 $0xFFFFFEF7, lr;
	s5 =	simm.s32 $0xFFFFFFFF;
	p2 =	slt.u32 s8, $0xFFFFF086  }
0x1c: {  	p1 =	slt.u32 s9, $0xF7A;
	s5 =	simm.s32 @!p2 $0x0  }
0x1d: {  	s5 =	simm.s32 @p1 $0x1;
	p0 =	seq.s32 s7, s2  }
0x1e: {  	s7 =	smul.u32 @!p0 $0xF7A, s2;
	p2 =	seq.s32 @!p0 s5, $0x0  }
0x1f: {  	s9 =	smul.u32 $0xF7A, s1;
	s8 =	simm.s32 @!p0 $0x1BF5;
	p2 =	por !p2, p0  }
0x20: {  	[sflag:s8] =	ssyncset.s32 @!p0 $0xFFFFF086;
	s6 =	sadd.s32 @!p0 s3, s7;
	s7 =	simm.s32 @!p0 $0x108  }
0x21: {  	s3 =	sadd.s32 s3, s9;
	s6 =	sadd.s32 @!p0 $0x88, s6;
	s7 =	simm.s32 @p2 $0x1082  }
0x22: {  	[simem:s7], [sflag:s8] =	dma.local @!p0 [hbm:s6], $0xF7A  }
0x23: {  	s9 =	sor.u32 $0xD0000000, s2;
	s6 =	simm.s32 $0x108;
	_ =	swait.ge @!p0 [sflag:s8], $0x0  }
0x24: {  	s3 =	sadd.s32 $0x88, s3;
	s6 =	simm.s32 @!p1 $0x1082;
	[sflag:s4] =	ssyncset.s32 $0xFFFFF086  }
0x25: {  	[simem:s6], [sflag:s4] =	dma.local [hbm:s3], $0xF7A  }
0x26: {  	[smem:$0x3F92] =	sst s1;
	(tag) =	ssettag s2;
	_ =	strace s9  }
0x27: {  	s1 =	sld [smem:$0x3FA2]  }
0x28: {  	s2 =	sld [smem:$0x3FA3]  }
0x29: {  	s4 =	sld [smem:$0x3FA5]  }
0x2a: {  	p0 =	seq.s32 s5, $0x0;
	s5 =	sld [smem:$0x3FA6]  }
0x2b: {  	s6 =	sld [smem:$0x3FA7]  }
0x2c: {  	s7 =	sld [smem:$0x3FA8]  }
0x2d: {  	s3 =	simm.s32 $0x108;
	s8 =	sld [smem:$0x3FA9]  }
0x2e: {  	s3 =	simm.s32 @!p0 $0x1082;
	s9 =	sld [smem:$0x3FAA]  }
0x2f: {  	lr =	sadd.s32 s0, s3;
	s0 =	sld [smem:$0x3FA1]  }
0x30: {  	s3 =	sld [smem:$0x3FA4]  }
0x31: {  	[smem:$0x3FAD] =	sst s10  }
0x32: {  	s10 =	sld [smem:$0x3FAB];
	_ =	sdelay $0x3  }
0x33: {  	p0 =	seq.s32 s10, $0x1;
	s10 =	sld [smem:$0x3FAD];
	_ =	sdelay $0x3  }
0x34: {  	[smem:$0x3FAD] =	sst s10  }
0x35: {  	s10 =	sld [smem:$0x3FAC];
	_ =	sdelay $0x3  }
0x36: {  	p1 =	seq.s32 s10, $0x1;
	s10 =	sld [smem:$0x3FAD];
	_ =	sdelay $0x3  }
0x37: {  	[smem:$0x3FAD] =	sst s10  }
0x38: {  	s10 =	sld [smem:$0x3FAE]  }
0x39: {  	_ = 	snop;
	(pc) =	sbr.ind lr, $3  }
0x3a: {  	_ = 	snop  }
0x3b: {  	_ = 	snop  }
0x3c: {  	p2 =	seq.s32 s10, $0x1;
	s10 =	sld [smem:$0x3FAD]  }
0x3d: {  	_ =	shalt  }
0x3e: {  	_ =	shalt  }
0x3f: {  	_ =	shalt  }
0x40: {  	_ =	shalt  }
0x41: {  	_ =	shalt  }
0x42: {  	_ =	shalt  }
0x43: {  	_ =	shalt  }
0x44: {  	_ =	shalt  }
0x45: {  	_ =	shalt  }
0x46: {  	_ =	shalt  }
0x47: {  	_ =	shalt  }
0x48: {  	_ =	shalt  }
0x49: {  	_ =	shalt  }
0x4a: {  	_ =	shalt  }
0x4b: {  	_ =	shalt  }
0x4c: {  	_ =	shalt  }
0x4d: {  	_ =	shalt  }
0x4e: {  	_ =	shalt  }
0x4f: {  	_ =	shalt  }
0x50: {  	_ =	shalt  }
0x51: {  	_ =	shalt  }
0x52: {  	_ =	shalt  }
0x53: {  	_ =	shalt  }
0x54: {  	_ =	shalt  }
0x55: {  	_ =	shalt  }
0x56: {  	_ =	shalt  }
0x57: {  	_ =	shalt  }
0x58: {  	_ =	shalt  }
0x59: {  	_ =	shalt  }
0x5a: {  	_ =	shalt  }
0x5b: {  	_ =	shalt  }
0x5c: {  	_ =	shalt  }
0x5d: {  	_ =	shalt  }
0x5e: {  	_ =	shalt  }
0x5f: {  	_ =	shalt  }
0x60: {  	_ =	shalt  }
0x61: {  	_ =	shalt  }
0x62: {  	_ =	shalt  }
0x63: {  	_ =	shalt  }
0x64: {  	_ =	shalt  }
0x65: {  	_ =	shalt  }
0x66: {  	_ =	shalt  }
0x67: {  	_ =	shalt  }
0x68: {  	_ =	shalt  }
0x69: {  	_ =	shalt  }
0x6a: {  	_ =	shalt  }
0x6b: {  	_ =	shalt  }
0x6c: {  	_ =	shalt  }
0x6d: {  	_ =	shalt  }
0x6e: {  	_ =	shalt  }
0x6f: {  	_ =	shalt  }
0x70: {  	_ =	shalt  }
0x71: {  	_ =	shalt  }
0x72: {  	_ =	shalt  }
0x73: {  	_ =	shalt  }
0x74: {  	_ =	shalt  }
0x75: {  	_ =	shalt  }
0x76: {  	_ =	shalt  }
0x77: {  	_ =	shalt  }
0x78: {  	_ =	shalt  }
0x79: {  	_ =	shalt  }
0x7a: {  	_ =	shalt  }
0x7b: {  	_ =	shalt  }
0x7c: {  	_ =	shalt  }
0x7d: {  	_ =	shalt  }
0x7e: {  	_ =	shalt  }
0x7f: {  	_ =	shalt  }
0x80: {  	_ =	shalt  }
0x81: {  	_ =	shalt  }
0x82: {  	_ =	shalt  }
0x83: {  	_ =	shalt  }
0x84: {  	_ =	shalt  }
0x85: {  	_ =	shalt  }
0x86: {  	_ =	shalt  }
0x87: {  	_ =	shalt  }
.Lfunc_end0:
.L_simem_size_0:
called_computation.1_lowered:
.L_overlay_start_0:
0x88: {  	s2 =	sld [smem:$0x3FD9]  }
0x89: {  	s3 =	sld [smem:$0x3FFE];
	_ =	sdelay $0x1  }
0x8a: {  	s1 =	srdreg.scid  }
0x8b: {  	s0 =	sand.u32 $0x1, s1  }
0x8c: {  	s17 =	sshll.u32 s0, $0xA;
	s2 =	sadd.s32 s3, s2  }
0x8d: {  	s2 =	sadd.s32 s2, s17  }
0x8e: {  	[smem:$0x3FB9] =	sst s2  }
0x8f: {  	_ = 	snop  }
0x90: {  	s2 =	sld [smem:$0x3FD0];
	(tm) =	ssettm $0x1  }
0x91: {  	s18 =	sld [smem:$0x3FFB];
	_ =	sdelay $0x3  }
0x92: {  	_ =	strace s18  }
0x93: {  	s3 =	sld [smem:$0x3FFC];
	_ =	sdelay $0x3  }
0x94: {  	_ =	strace s3  }
0x95: {  	s3 =	sld [smem:$0x3FFD];
	_ =	sdelay $0x3  }
0x96: {  	_ =	strace s3  }
0x97: {  	_ =	strace $0x8FFFFFFF  }
0x98: {  	s19 =	sld [smem:$0x3FDB];
	_ =	sdelay $0x1  }
0x99: {  	s4 =	simm.s32 $_scs_section_size  }
0x9a: {  	s5 =	simm.s32 $_size__tile_overlayer_lowered;
	s6 =	simm.s32 $_tile_overlayer_lowered  }
0x9b: {  	s22 =	simm.s32 $0x1BFF;
	s21 =	sshll.u32 s6, $0x1;
	s3 =	sadd.s32 s4, s19  }
0x9c: {  	s7 =	simm.s32 $0x0;
	s20 =	sshll.u32 s5, $0x1;
	s5 =	sadd.s32 s21, s3  }
0x9d: {  	[timem:s7], [sflag:s22] =	dma.local [hbm:s5], s20  }
0x9e: {  	_ =	swait.ge [sflag:s22], s20  }
0x9f: {  	s4 =	ssub.s32 $0x0, s20;
	[sflag:s22] =	ssyncset.done $0x0  }
0xa0: {  	[sflag:s22] =	ssyncadd.s32 s4;
	_ =	sdelay $0x1  }
0xa1: {  	s23 =	simm.s32 $0x1B8B  }
0xa2: {  	_ =	swait.ge [sflag:s23], $0x1  }
0xa3: {  	[sflag:s23] =	ssyncset.done $0x0  }
0xa4: {  	s25 =	simm.s32 $0x1B8E;
	s24 =	sld [smem:$0x3FFE];
	[sflag:s23] =	ssyncadd.s32 $0xFFFFFFFF  }
0xa5: {  	s26 =	simm.s32 $execute0_lowered;
	[smem:$0x3FD2] =	sst s25  }
0xa6: {  	s5 =	sshll.u32 s26, $0x1;
	_ =	strace $0x80000049;
	[dreg:$0x1] =	wrdreg $0xFFFFFFFF  }
0xa7: {  	s28 =	simm.s32 $_size_execute0_lowered;
	s3 =	sadd.s32 s3, s5;
	[dreg:$0x0] =	wrdreg $0x0  }
0xa8: {  	s5 =	sshll.u32 s28, $0x1;
	[dreg:$0x2] =	wrdreg s3  }
0xa9: {  	[dreg:$0x3] =	wrdreg s5  }
0xaa: {  	[dreg:$0x4] =	wrdreg $0xC0  }
0xab: {  	_ =	task [dreg:s7], $0x5FFFF  }
0xac: {  	[dreg:$0x1] =	wrdreg $0xFFFFFFFF  }
0xad: {  	[dreg:$0x0] =	wrdreg $0x60  }
0xae: {  	[dreg:$0x2] =	wrdreg s24  }
0xaf: {  	[dreg:$0x3] =	wrdreg s2  }
0xb0: {  	[dreg:$0x4] =	wrdreg $0x9  }
0xb1: {  	_ =	task.clear_ibuf [dreg:s7], $0x5FFFF;
	_ =	strace $0x90000049  }
0xb2: {  	s29 =	simm.s32 $0x9;
	_ =	strace $0x8000004B  }
0xb3: {  	_ =	swait.ge [sflag:s29], $0x1  }
0xb4: {  	[sflag:s29] =	ssyncadd.s32 $0xFFFFFFFF  }
0xb5: {  	_ =	strace $0x9000004B  }
0xb6: {  	_ =	sfence  }
0xb7: {  	s30 =	sld [smem:$0x0];
	_ =	sdelay $0x2  }
0xb8: {  	s31 =	sshll.u32 s1, $0xD;
	s1 =	sshrl.u32 s1, $0x2  }
0xb9: {  	s3 =	sand.u32 $0x4000, s31;
	s1 =	sadd.s32 s1, s30  }
0xba: {  	s0 =	sor.u32 s3, s0;
	s1 =	sshll.u32 s1, $0x11  }
0xbb: {  	s0 =	sor.u32 s1, s0  }
0xbc: {  	s0 =	sadd.s32 $0x8F2B, s0  }
0xbd: {  	[sflag:s0] =	ssyncadd.remote.s32 $0x1  }
0xbe: {  	_ =	sfence.sel $0xFFFF  }
0xbf: {  	[dreg:$0x0] =	wrdreg $0xFFFFFFFF;
	(pc) =	sbr.abs _section_cstart, $3  }
0xc0: {  	[dreg:$0x1] =	wrdreg $0xFFFFFFFF  }
0xc1: {  	_ =	task.clear_ibuf [dreg:s7], $0x2FFFF;
	_ =	strace $0x9FFFFFFF  }
0xc2: {  	(tm) =	ssettm $0x7FFFFFFF  }
0xc3: {  	_ =	shalt  }
tec
execute0_lowered:
.L_overlay_start_1:
0x0: {  	(tag) =	ssettag $0x1  }
0x1: {  	s4 =	rddreg [dreg:$0x0]  }
0x2: {  	s9 =	rddreg [dreg:$0x1]  }
0x3: {  	s0 =	rddreg [dreg:$0x2]  }
0x4: {  	s2 =	simm.s32 $0x0;
	s3 =	srdreg.scid;
	s1 =	stileid.u32  }
0x5: {  	s12 =	simm.s32 $0x800;
	s13 =	simm.s32 $0x1000;
	s14 =	simm.s32 $0x1800  }
0x6: {  	s15 =	simm.s32 $0x2000;
	s16 =	simm.s32 $0x2800;
	s17 =	simm.s32 $0x3000  }
0x7: {  	s18 =	simm.s32 $0x3800;
	s19 =	simm.s32 $0x4000;
	s20 =	simm.s32 $0x4800  }
0x8: {  	s21 =	simm.s32 $0x5000;
	s22 =	simm.s32 $0x5800;
	s23 =	simm.s32 $0x6000  }
0x9: {  	s24 =	simm.s32 $0x6800;
	s25 =	simm.s32 $0x7000;
	s26 =	simm.s32 $0x7800  }
0xa: {  	[smem:$0x7FF] =	sst s2;
	s3 =	sand.u32 $0x1, s3;
	s6 =	sshll.u32 s1, $0x8  }
0xb: {  	s10 =	sadd.s32 $0x1D3200, s4;
	_ =	strace $0x8000004A;
	s5 =	ssub.s32 $0x2, s3  }
0xc: {  	s7 =	sshll.u32 s3, $0x7;
	s3 =	sadd.s32 $0xE00, s4;
	s8 =	sshrl.u32 s5, $0x1  }
0xd: {  	s4 =	sadd.s32 $0xF00, s4;
	s7 =	sor.u32 s7, s6;
	s28 =	ssub.s32 s5, s8  }
0xe: {  	s29 =	sshrl.u32 s7, $0x3;
	s11 =	sor.u32 $0x40, s7;
	s7 =	sshll.u32 s7, $0x6  }
0xf: {  	v2 =	vlaneseq.u32;
	s5 =	sadd.s32 s10, s29;
	s6 =	smax.u32 s28, $0x1;
	s30 =	sshrl.u32 s11, $0x3  }
0x10: {  	vm0 =	vmmov $0xffff;
	v1 =	vshrl.u32 v2, $0x3;
	s7 =	sadd.s32 s9, s7;
	s31 =	sshll.u32 s11, $0x6;
	s11 =	simm.s32 $0x1  }
0x11: {  	v0 =	vand.u32 $0x7, v2;
	v2 =	vor.u32 $0x8, v2;
	v1 =	vmul.u32 $0x8, v1;
	s8 =	sadd.s32 s10, s30;
	s9 =	sadd.s32 s9, s31;
	s10 =	simm.s32 $0x8000  }
.LBB2_1:
0x12: {  	[tilespmem:s10], [sflag:$0x1] =	stream.linear.gather [hbm4b:s5+s2], $0x40, $0x38;
	[tilespmem:$0x8080] =	vst v63  }
0x13: {  	_ =	swait.ge [sflag:s11], $0x40  }
0x14: {  	[sflag:s11] =	ssyncset.done $0x0  }
0x15: {  	[sflag:s11] =	ssyncadd.s32 $0xFFFFFFC0  }
0x16: {  	v3 =	vld [tilespmem:$0x8000];
	_ =	sdelay $0x4  }
0x17: {  	v4 =	vshll.u32 v3, $0x2  }
0x18: {  	v3 =	vand.u32 $0x7, v3;
	v4 =	vand.u32 $0xFFFFFFE0, v4  }
0x19: {  	v3 =	vor.u32 v3, v4  }
0x1a: {  	v4 =	vperm.xlane v3, v0;
	_ =	sdelay $0x1  }
0x1b: {  	v4 =	vadd.s32 v1, v4;
	_ =	sdelay $0x1  }
0x1c: {  	v3 =	vperm.xlane v3, v2;
	_ =	sdelay $0x1  }
0x1d: {  	v3 =	vadd.s32 v1, v3  }
0x1e: {  	[tilespmem:s2], [sflag:$0x1] =	stream.indirect_vreg.gather [hbm4b:s3+s2], $0x80, v4, vm0, $0xb8;
	[tilespmem:$0x8080] =	vst v63  }
0x1f: {  	_ = 	snop  }
0x20: {  	[tilespmem:s12], [sflag:$0x1] =	stream.indirect_vreg.gather [hbm4b:s4+s2], $0x80, v4, vm0, $0xb8;
	[tilespmem:$0x8080] =	vst v63  }
0x21: {  	_ = 	snop  }
0x22: {  	[tilespmem:s13], [sflag:$0x1] =	stream.indirect_vreg.gather [hbm4b:s3+s2], $0x80, v3, vm0, $0xb8;
	[tilespmem:$0x8080] =	vst v63  }
0x23: {  	_ = 	snop  }
0x24: {  	[tilespmem:s14], [sflag:$0x1] =	stream.indirect_vreg.gather [hbm4b:s4+s2], $0x80, v3, vm0, $0xb8;
	[tilespmem:$0x8080] =	vst v63  }
0x25: {  	v3 =	vld [tilespmem:$0x8010];
	_ =	sdelay $0x4  }
0x26: {  	v57 =	vshll.u32 v3, $0x2  }
0x27: {  	v3 =	vand.u32 $0x7, v3;
	v4 =	vand.u32 $0xFFFFFFE0, v57  }
0x28: {  	v3 =	vor.u32 v3, v4  }
0x29: {  	v4 =	vperm.xlane v3, v0;
	_ =	sdelay $0x1  }
0x2a: {  	v4 =	vadd.s32 v1, v4;
	_ =	sdelay $0x1  }
0x2b: {  	v3 =	vperm.xlane v3, v2;
	_ =	sdelay $0x1  }
0x2c: {  	v3 =	vadd.s32 v1, v3  }
0x2d: {  	[tilespmem:s15], [sflag:$0x1] =	stream.indirect_vreg.gather [hbm4b:s3+s2], $0x80, v4, vm0, $0xb8;
	[tilespmem:$0x8080] =	vst v63  }
0x2e: {  	_ = 	snop  }
0x2f: {  	[tilespmem:s16], [sflag:$0x1] =	stream.indirect_vreg.gather [hbm4b:s4+s2], $0x80, v4, vm0, $0xb8;
	[tilespmem:$0x8080] =	vst v63  }
0x30: {  	_ = 	snop  }
0x31: {  	[tilespmem:s17], [sflag:$0x1] =	stream.indirect_vreg.gather [hbm4b:s3+s2], $0x80, v3, vm0, $0xb8;
	[tilespmem:$0x8080] =	vst v63  }
0x32: {  	_ = 	snop  }
0x33: {  	[tilespmem:s18], [sflag:$0x1] =	stream.indirect_vreg.gather [hbm4b:s4+s2], $0x80, v3, vm0, $0xb8;
	[tilespmem:$0x8080] =	vst v63  }
0x34: {  	v3 =	vld [tilespmem:$0x8020];
	_ =	sdelay $0x4  }
0x35: {  	v58 =	vshll.u32 v3, $0x2  }
0x36: {  	v3 =	vand.u32 $0x7, v3;
	v4 =	vand.u32 $0xFFFFFFE0, v58  }
0x37: {  	v3 =	vor.u32 v3, v4  }
0x38: {  	v4 =	vperm.xlane v3, v0;
	_ =	sdelay $0x1  }
0x39: {  	v4 =	vadd.s32 v1, v4;
	_ =	sdelay $0x1  }
0x3a: {  	v3 =	vperm.xlane v3, v2;
	_ =	sdelay $0x1  }
0x3b: {  	v3 =	vadd.s32 v1, v3  }
0x3c: {  	[tilespmem:s19], [sflag:$0x1] =	stream.indirect_vreg.gather [hbm4b:s3+s2], $0x80, v4, vm0, $0xb8;
	[tilespmem:$0x8080] =	vst v63  }
0x3d: {  	_ = 	snop  }
0x3e: {  	[tilespmem:s20], [sflag:$0x1] =	stream.indirect_vreg.gather [hbm4b:s4+s2], $0x80, v4, vm0, $0xb8;
	[tilespmem:$0x8080] =	vst v63  }
0x3f: {  	_ = 	snop  }
0x40: {  	[tilespmem:s21], [sflag:$0x1] =	stream.indirect_vreg.gather [hbm4b:s3+s2], $0x80, v3, vm0, $0xb8;
	[tilespmem:$0x8080] =	vst v63  }
0x41: {  	_ = 	snop  }
0x42: {  	[tilespmem:s22], [sflag:$0x1] =	stream.indirect_vreg.gather [hbm4b:s4+s2], $0x80, v3, vm0, $0xb8;
	[tilespmem:$0x8080] =	vst v63  }
0x43: {  	v3 =	vld [tilespmem:$0x8030];
	_ =	sdelay $0x4  }
0x44: {  	v59 =	vshll.u32 v3, $0x2  }
0x45: {  	v3 =	vand.u32 $0x7, v3;
	v4 =	vand.u32 $0xFFFFFFE0, v59  }
0x46: {  	v3 =	vor.u32 v3, v4  }
0x47: {  	v4 =	vperm.xlane v3, v0;
	_ =	sdelay $0x1  }
0x48: {  	v4 =	vadd.s32 v1, v4;
	_ =	sdelay $0x1  }
0x49: {  	v3 =	vperm.xlane v3, v2;
	_ =	sdelay $0x1  }
0x4a: {  	v3 =	vadd.s32 v1, v3  }
0x4b: {  	[tilespmem:s23], [sflag:$0x1] =	stream.indirect_vreg.gather [hbm4b:s3+s2], $0x80, v4, vm0, $0xb8;
	[tilespmem:$0x8080] =	vst v63  }
0x4c: {  	_ = 	snop  }
0x4d: {  	[tilespmem:s24], [sflag:$0x1] =	stream.indirect_vreg.gather [hbm4b:s4+s2], $0x80, v4, vm0, $0xb8;
	[tilespmem:$0x8080] =	vst v63  }
0x4e: {  	_ = 	snop  }
0x4f: {  	[tilespmem:s25], [sflag:$0x1] =	stream.indirect_vreg.gather [hbm4b:s3+s2], $0x80, v3, vm0, $0xb8;
	[tilespmem:$0x8080] =	vst v63  }
0x50: {  	_ = 	snop  }
0x51: {  	[tilespmem:s26], [sflag:$0x1] =	stream.indirect_vreg.gather [hbm4b:s4+s2], $0x80, v3, vm0, $0xb8;
	[tilespmem:$0x8080] =	vst v63  }
0x52: {  	_ =	swait.ge [sflag:s11], $0x8000  }
0x53: {  	[sflag:s11] =	ssyncset.done $0x0  }
0x54: {  	[sflag:s11] =	ssyncadd.s32 $0xFFFF8000  }
0x55: {  	[hbm4b:s7+s2] =	stream.linear.scatter [tilespmem:s2], [sflag:$0x1], $0x8000, $0x38;
	[tilespmem:$0x8080] =	vst v63  }
0x56: {  	_ =	swait.ge [sflag:s11], $0x8000  }
0x57: {  	[sflag:s11] =	ssyncset.done $0x0  }
0x58: {  	[sflag:s11] =	ssyncadd.s32 $0xFFFF8000  }
0x59: {  	[tilespmem:s10], [sflag:$0x1] =	stream.linear.gather [hbm4b:s8+s2], $0x40, $0x38;
	[tilespmem:$0x8080] =	vst v63  }
0x5a: {  	_ =	swait.ge [sflag:s11], $0x40  }
0x5b: {  	[sflag:s11] =	ssyncset.done $0x0  }
0x5c: {  	[sflag:s11] =	ssyncadd.s32 $0xFFFFFFC0  }
0x5d: {  	v3 =	vld [tilespmem:$0x8000];
	_ =	sdelay $0x4  }
0x5e: {  	v60 =	vshll.u32 v3, $0x2  }
0x5f: {  	v3 =	vand.u32 $0x7, v3;
	v4 =	vand.u32 $0xFFFFFFE0, v60  }
0x60: {  	v3 =	vor.u32 v3, v4  }
0x61: {  	v4 =	vperm.xlane v3, v0;
	_ =	sdelay $0x1  }
0x62: {  	v4 =	vadd.s32 v1, v4;
	_ =	sdelay $0x1  }
0x63: {  	v3 =	vperm.xlane v3, v2;
	_ =	sdelay $0x1  }
0x64: {  	v3 =	vadd.s32 v1, v3  }
0x65: {  	[tilespmem:s2], [sflag:$0x1] =	stream.indirect_vreg.gather [hbm4b:s3+s2], $0x80, v4, vm0, $0xb8;
	[tilespmem:$0x8080] =	vst v63  }
0x66: {  	_ = 	snop  }
0x67: {  	[tilespmem:s12], [sflag:$0x1] =	stream.indirect_vreg.gather [hbm4b:s4+s2], $0x80, v4, vm0, $0xb8;
	[tilespmem:$0x8080] =	vst v63  }
0x68: {  	_ = 	snop  }
0x69: {  	[tilespmem:s13], [sflag:$0x1] =	stream.indirect_vreg.gather [hbm4b:s3+s2], $0x80, v3, vm0, $0xb8;
	[tilespmem:$0x8080] =	vst v63  }
0x6a: {  	_ = 	snop  }
0x6b: {  	[tilespmem:s14], [sflag:$0x1] =	stream.indirect_vreg.gather [hbm4b:s4+s2], $0x80, v3, vm0, $0xb8;
	[tilespmem:$0x8080] =	vst v63  }
0x6c: {  	v3 =	vld [tilespmem:$0x8010];
	_ =	sdelay $0x4  }
0x6d: {  	v61 =	vshll.u32 v3, $0x2  }
0x6e: {  	v3 =	vand.u32 $0x7, v3;
	v4 =	vand.u32 $0xFFFFFFE0, v61  }
0x6f: {  	v3 =	vor.u32 v3, v4  }
0x70: {  	v4 =	vperm.xlane v3, v0;
	_ =	sdelay $0x1  }
0x71: {  	v4 =	vadd.s32 v1, v4;
	_ =	sdelay $0x1  }
0x72: {  	v3 =	vperm.xlane v3, v2;
	_ =	sdelay $0x1  }
0x73: {  	v3 =	vadd.s32 v1, v3  }
0x74: {  	[tilespmem:s15], [sflag:$0x1] =	stream.indirect_vreg.gather [hbm4b:s3+s2], $0x80, v4, vm0, $0xb8;
	[tilespmem:$0x8080] =	vst v63  }
0x75: {  	_ = 	snop  }
0x76: {  	[tilespmem:s16], [sflag:$0x1] =	stream.indirect_vreg.gather [hbm4b:s4+s2], $0x80, v4, vm0, $0xb8;
	[tilespmem:$0x8080] =	vst v63  }
0x77: {  	_ = 	snop  }
0x78: {  	[tilespmem:s17], [sflag:$0x1] =	stream.indirect_vreg.gather [hbm4b:s3+s2], $0x80, v3, vm0, $0xb8;
	[tilespmem:$0x8080] =	vst v63  }
0x79: {  	_ = 	snop  }
0x7a: {  	[tilespmem:s18], [sflag:$0x1] =	stream.indirect_vreg.gather [hbm4b:s4+s2], $0x80, v3, vm0, $0xb8;
	[tilespmem:$0x8080] =	vst v63  }
0x7b: {  	v3 =	vld [tilespmem:$0x8020];
	_ =	sdelay $0x4  }
0x7c: {  	v62 =	vshll.u32 v3, $0x2  }
0x7d: {  	v3 =	vand.u32 $0x7, v3;
	v4 =	vand.u32 $0xFFFFFFE0, v62  }
0x7e: {  	v3 =	vor.u32 v3, v4  }
0x7f: {  	v4 =	vperm.xlane v3, v0;
	_ =	sdelay $0x1  }
0x80: {  	v4 =	vadd.s32 v1, v4;
	_ =	sdelay $0x1  }
0x81: {  	v3 =	vperm.xlane v3, v2;
	_ =	sdelay $0x1  }
0x82: {  	v3 =	vadd.s32 v1, v3  }
0x83: {  	[tilespmem:s19], [sflag:$0x1] =	stream.indirect_vreg.gather [hbm4b:s3+s2], $0x80, v4, vm0, $0xb8;
	[tilespmem:$0x8080] =	vst v63  }
0x84: {  	_ = 	snop  }
0x85: {  	[tilespmem:s20], [sflag:$0x1] =	stream.indirect_vreg.gather [hbm4b:s4+s2], $0x80, v4, vm0, $0xb8;
	[tilespmem:$0x8080] =	vst v63  }
0x86: {  	_ = 	snop  }
0x87: {  	[tilespmem:s21], [sflag:$0x1] =	stream.indirect_vreg.gather [hbm4b:s3+s2], $0x80, v3, vm0, $0xb8;
	[tilespmem:$0x8080] =	vst v63  }
0x88: {  	_ = 	snop  }
0x89: {  	[tilespmem:s22], [sflag:$0x1] =	stream.indirect_vreg.gather [hbm4b:s4+s2], $0x80, v3, vm0, $0xb8;
	[tilespmem:$0x8080] =	vst v63  }
0x8a: {  	v3 =	vld [tilespmem:$0x8030];
	_ =	sdelay $0x4  }
0x8b: {  	v63 =	vshll.u32 v3, $0x2  }
0x8c: {  	v3 =	vand.u32 $0x7, v3;
	v4 =	vand.u32 $0xFFFFFFE0, v63  }
0x8d: {  	v3 =	vor.u32 v3, v4  }
0x8e: {  	v4 =	vperm.xlane v3, v0;
	_ =	sdelay $0x1  }
0x8f: {  	v4 =	vadd.s32 v1, v4;
	_ =	sdelay $0x1  }
0x90: {  	v3 =	vperm.xlane v3, v2;
	_ =	sdelay $0x1  }
0x91: {  	v3 =	vadd.s32 v1, v3  }
0x92: {  	[tilespmem:s23], [sflag:$0x1] =	stream.indirect_vreg.gather [hbm4b:s3+s2], $0x80, v4, vm0, $0xb8;
	[tilespmem:$0x8080] =	vst v63  }
0x93: {  	_ = 	snop  }
0x94: {  	[tilespmem:s24], [sflag:$0x1] =	stream.indirect_vreg.gather [hbm4b:s4+s2], $0x80, v4, vm0, $0xb8;
	[tilespmem:$0x8080] =	vst v63  }
0x95: {  	_ = 	snop  }
0x96: {  	[tilespmem:s25], [sflag:$0x1] =	stream.indirect_vreg.gather [hbm4b:s3+s2], $0x80, v3, vm0, $0xb8;
	[tilespmem:$0x8080] =	vst v63  }
0x97: {  	_ = 	snop  }
0x98: {  	[tilespmem:s26], [sflag:$0x1] =	stream.indirect_vreg.gather [hbm4b:s4+s2], $0x80, v3, vm0, $0xb8;
	[tilespmem:$0x8080] =	vst v63  }
0x99: {  	_ =	swait.ge [sflag:s11], $0x8000  }
0x9a: {  	p0 =	sne.s32 s6, $0x1;
	[sflag:s11] =	ssyncset.done $0x0  }
.Ltmp0:
0x9b: {  	[sflag:s11] =	ssyncadd.s32 $0xFFFF8000;
	(pc) =	sbr.rel @p0 .LBB2_1-.Ltmp0, $4  }
0x9c: {  	[hbm4b:s9+s2] =	stream.linear.scatter [tilespmem:s2], [sflag:$0x1], $0x8000, $0x38;
	[tilespmem:$0x8080] =	vst v63  }
0x9d: {  	_ =	swait.ge [sflag:s11], $0x8000  }
0x9e: {  	[sflag:s11] =	ssyncset.done $0x0  }
0x9f: {  	s6 =	sadd.s32 $0xFFFFFFFF, s6;
	[sflag:s11] =	ssyncadd.s32 $0xFFFF8000  }
0xa0: {  	_ =	sfence.sel $0x180000  }
0xa1: {  	[bflag:$0x0] =	sbarrier.arrive $0xFFFF  }
0xa2: {  	p0 =	sne.s32 s1, $0x0;
	_ =	strace $0x9000004A  }
0xa3: {  	s0 =	sadd.s32 @!p0 $0x100000, s0;
	[bflag:$0x2] =	sbarrier.arrive $0xFFFF  }
0xa4: {  	[sflag:s0] =	ssyncadd.tile.s32 @!p0 $0x1;
	_ =	shalt  }
.Lfunc_end2:
_tile_overlayer_lowered:
.L_overlay_start_2:
0xa5: {  	(tag) =	ssettag $0x2  }
0xa6: {  	s0 =	rddreg [dreg:$0x0];
	s2 =	stileid.u32  }
0xa7: {  	s1 =	rddreg [dreg:$0x1];
	p0 =	sne.s32 s2, $0x0  }
0xa8: {  	s3 =	rddreg [dreg:$0x2];
	[bflag:$0x3] =	sbarrier.arrive $0xFFFF;
	s2 =	simm.s32 @!p0 $0x1C01  }
0xa9: {  	[timem:s3], [sflag:s2] =	dma.local @!p0 [hbm:s0], s1  }
0xaa: {  	s0 =	simm.s32 @!p0 $0x1  }
0xab: {  	_ =	swait.ge @!p0 [sflag:s0], s1  }
0xac: {  	s1 =	ssub.s32 @!p0 $0x0, s1;
	[sflag:s0] =	ssyncset.done @!p0 $0x0  }
0xad: {  	[sflag:s0] =	ssyncadd.s32 @!p0 s1  }
0xae: {  	[bflag:$0x3] =	sbarrier.arrive $0xFFFF  }
0xaf: {  	_ =	shalt  }

// kernel: kernel.7.cloned.1.call-start
scs
__scs_entry_jumppad:
0x0: {  	(pc) =	sbr.rel $0x88, $3  }
0x1: {  	(tag) =	ssettag $0x0;
	lr =	simm.s32 $0x1  }
0x2: {  	[smem:$0x3F92] =	sst lr;
	_ =	strace $0xD0000000  }
0x3: {  	_ = 	snop  }
0x4: {  	_ = 	snop  }
0x5: {  	_ = 	snop  }
0x6: {  	_ = 	snop  }
0x7: {  	_ = 	snop  }
__scs_overlays_trampoline_lowered:
0x8: {  	[smem:$0x3FA1] =	sst s0  }
0x9: {  	[smem:$0x3FA2] =	sst s1  }
0xa: {  	[smem:$0x3FA3] =	sst s2  }
0xb: {  	[smem:$0x3FA4] =	sst s3  }
0xc: {  	[smem:$0x3FA5] =	sst s4  }
0xd: {  	[smem:$0x3FA6] =	sst s5  }
0xe: {  	[smem:$0x3FA7] =	sst s6  }
0xf: {  	[smem:$0x3FA8] =	sst s7  }
0x10: {  	[smem:$0x3FA9] =	sst s8  }
0x11: {  	[smem:$0x3FAA] =	sst s9;
	s0 =	simm.s32 @!p0 $0x0  }
0x12: {  	s1 =	sld [smem:$0x3F90];
	s0 =	simm.s32 @p0 $0x1  }
0x13: {  	[smem:$0x3FAB] =	sst s0;
	s0 =	simm.s32 @!p1 $0x0  }
0x14: {  	s2 =	sld [smem:$0x3F8F];
	s0 =	simm.s32 @p1 $0x1  }
0x15: {  	[smem:$0x3FAC] =	sst s0;
	s0 =	simm.s32 @!p2 $0x0  }
0x16: {  	s3 =	sld [smem:$0x3FDB];
	s0 =	simm.s32 @p2 $0x1  }
0x17: {  	s4 =	simm.s32 $0x1BF5;
	[smem:$0x3FAE] =	sst s0  }
0x18: {  	s0 =	sld [smem:$0x3F91];
	_ =	swait.ge [sflag:s4], $0x0  }
0x19: {  	s7 =	sld [smem:$0x3F92]  }
0x1a: {  	s8 =	sadd.s32 $0xFFFFE003, lr  }
0x1b: {  	s9 =	sadd.s32 $0xFFFFFEF7, lr;
	s5 =	simm.s32 $0xFFFFFFFF;
	p2 =	slt.u32 s8, $0xFFFFF086  }
0x1c: {  	p1 =	slt.u32 s9, $0xF7A;
	s5 =	simm.s32 @!p2 $0x0  }
0x1d: {  	s5 =	simm.s32 @p1 $0x1;
	p0 =	seq.s32 s7, s2  }
0x1e: {  	s7 =	smul.u32 @!p0 $0xF7A, s2;
	p2 =	seq.s32 @!p0 s5, $0x0  }
0x1f: {  	s9 =	smul.u32 $0xF7A, s1;
	s8 =	simm.s32 @!p0 $0x1BF5;
	p2 =	por !p2, p0  }
0x20: {  	[sflag:s8] =	ssyncset.s32 @!p0 $0xFFFFF086;
	s6 =	sadd.s32 @!p0 s3, s7;
	s7 =	simm.s32 @!p0 $0x108  }
0x21: {  	s3 =	sadd.s32 s3, s9;
	s6 =	sadd.s32 @!p0 $0x88, s6;
	s7 =	simm.s32 @p2 $0x1082  }
0x22: {  	[simem:s7], [sflag:s8] =	dma.local @!p0 [hbm:s6], $0xF7A  }
0x23: {  	s9 =	sor.u32 $0xD0000000, s2;
	s6 =	simm.s32 $0x108;
	_ =	swait.ge @!p0 [sflag:s8], $0x0  }
0x24: {  	s3 =	sadd.s32 $0x88, s3;
	s6 =	simm.s32 @!p1 $0x1082;
	[sflag:s4] =	ssyncset.s32 $0xFFFFF086  }
0x25: {  	[simem:s6], [sflag:s4] =	dma.local [hbm:s3], $0xF7A  }
0x26: {  	[smem:$0x3F92] =	sst s1;
	(tag) =	ssettag s2;
	_ =	strace s9  }
0x27: {  	s1 =	sld [smem:$0x3FA2]  }
0x28: {  	s2 =	sld [smem:$0x3FA3]  }
0x29: {  	s4 =	sld [smem:$0x3FA5]  }
0x2a: {  	p0 =	seq.s32 s5, $0x0;
	s5 =	sld [smem:$0x3FA6]  }
0x2b: {  	s6 =	sld [smem:$0x3FA7]  }
0x2c: {  	s7 =	sld [smem:$0x3FA8]  }
0x2d: {  	s3 =	simm.s32 $0x108;
	s8 =	sld [smem:$0x3FA9]  }
0x2e: {  	s3 =	simm.s32 @!p0 $0x1082;
	s9 =	sld [smem:$0x3FAA]  }
0x2f: {  	lr =	sadd.s32 s0, s3;
	s0 =	sld [smem:$0x3FA1]  }
0x30: {  	s3 =	sld [smem:$0x3FA4]  }
0x31: {  	[smem:$0x3FAD] =	sst s10  }
0x32: {  	s10 =	sld [smem:$0x3FAB];
	_ =	sdelay $0x3  }
0x33: {  	p0 =	seq.s32 s10, $0x1;
	s10 =	sld [smem:$0x3FAD];
	_ =	sdelay $0x3  }
0x34: {  	[smem:$0x3FAD] =	sst s10  }
0x35: {  	s10 =	sld [smem:$0x3FAC];
	_ =	sdelay $0x3  }
0x36: {  	p1 =	seq.s32 s10, $0x1;
	s10 =	sld [smem:$0x3FAD];
	_ =	sdelay $0x3  }
0x37: {  	[smem:$0x3FAD] =	sst s10  }
0x38: {  	s10 =	sld [smem:$0x3FAE]  }
0x39: {  	_ = 	snop;
	(pc) =	sbr.ind lr, $3  }
0x3a: {  	_ = 	snop  }
0x3b: {  	_ = 	snop  }
0x3c: {  	p2 =	seq.s32 s10, $0x1;
	s10 =	sld [smem:$0x3FAD]  }
0x3d: {  	_ =	shalt  }
0x3e: {  	_ =	shalt  }
0x3f: {  	_ =	shalt  }
0x40: {  	_ =	shalt  }
0x41: {  	_ =	shalt  }
0x42: {  	_ =	shalt  }
0x43: {  	_ =	shalt  }
0x44: {  	_ =	shalt  }
0x45: {  	_ =	shalt  }
0x46: {  	_ =	shalt  }
0x47: {  	_ =	shalt  }
0x48: {  	_ =	shalt  }
0x49: {  	_ =	shalt  }
0x4a: {  	_ =	shalt  }
0x4b: {  	_ =	shalt  }
0x4c: {  	_ =	shalt  }
0x4d: {  	_ =	shalt  }
0x4e: {  	_ =	shalt  }
0x4f: {  	_ =	shalt  }
0x50: {  	_ =	shalt  }
0x51: {  	_ =	shalt  }
0x52: {  	_ =	shalt  }
0x53: {  	_ =	shalt  }
0x54: {  	_ =	shalt  }
0x55: {  	_ =	shalt  }
0x56: {  	_ =	shalt  }
0x57: {  	_ =	shalt  }
0x58: {  	_ =	shalt  }
0x59: {  	_ =	shalt  }
0x5a: {  	_ =	shalt  }
0x5b: {  	_ =	shalt  }
0x5c: {  	_ =	shalt  }
0x5d: {  	_ =	shalt  }
0x5e: {  	_ =	shalt  }
0x5f: {  	_ =	shalt  }
0x60: {  	_ =	shalt  }
0x61: {  	_ =	shalt  }
0x62: {  	_ =	shalt  }
0x63: {  	_ =	shalt  }
0x64: {  	_ =	shalt  }
0x65: {  	_ =	shalt  }
0x66: {  	_ =	shalt  }
0x67: {  	_ =	shalt  }
0x68: {  	_ =	shalt  }
0x69: {  	_ =	shalt  }
0x6a: {  	_ =	shalt  }
0x6b: {  	_ =	shalt  }
0x6c: {  	_ =	shalt  }
0x6d: {  	_ =	shalt  }
0x6e: {  	_ =	shalt  }
0x6f: {  	_ =	shalt  }
0x70: {  	_ =	shalt  }
0x71: {  	_ =	shalt  }
0x72: {  	_ =	shalt  }
0x73: {  	_ =	shalt  }
0x74: {  	_ =	shalt  }
0x75: {  	_ =	shalt  }
0x76: {  	_ =	shalt  }
0x77: {  	_ =	shalt  }
0x78: {  	_ =	shalt  }
0x79: {  	_ =	shalt  }
0x7a: {  	_ =	shalt  }
0x7b: {  	_ =	shalt  }
0x7c: {  	_ =	shalt  }
0x7d: {  	_ =	shalt  }
0x7e: {  	_ =	shalt  }
0x7f: {  	_ =	shalt  }
0x80: {  	_ =	shalt  }
0x81: {  	_ =	shalt  }
0x82: {  	_ =	shalt  }
0x83: {  	_ =	shalt  }
0x84: {  	_ =	shalt  }
0x85: {  	_ =	shalt  }
0x86: {  	_ =	shalt  }
0x87: {  	_ =	shalt  }
.Lfunc_end0:
.L_simem_size_0:
called_computation_lowered:
.L_overlay_start_0:
0x88: {  	s2 =	sld [smem:$0x3FD9]  }
0x89: {  	s3 =	sld [smem:$0x3FFE];
	_ =	sdelay $0x1  }
0x8a: {  	s1 =	srdreg.scid  }
0x8b: {  	s0 =	sand.u32 $0x1, s1  }
0x8c: {  	s17 =	sshll.u32 s0, $0xA;
	s2 =	sadd.s32 s3, s2  }
0x8d: {  	s2 =	sadd.s32 s2, s17  }
0x8e: {  	[smem:$0x3FB9] =	sst s2  }
0x8f: {  	_ = 	snop  }
0x90: {  	s2 =	sld [smem:$0x3FD0];
	(tm) =	ssettm $0x1  }
0x91: {  	s18 =	sld [smem:$0x3FFB];
	_ =	sdelay $0x3  }
0x92: {  	_ =	strace s18  }
0x93: {  	s3 =	sld [smem:$0x3FFC];
	_ =	sdelay $0x3  }
0x94: {  	_ =	strace s3  }
0x95: {  	s3 =	sld [smem:$0x3FFD];
	_ =	sdelay $0x3  }
0x96: {  	_ =	strace s3  }
0x97: {  	_ =	strace $0x8FFFFFFF  }
0x98: {  	s19 =	sld [smem:$0x3FDB];
	_ =	sdelay $0x1  }
0x99: {  	s4 =	simm.s32 $_scs_section_size  }
0x9a: {  	s5 =	simm.s32 $_size__tile_overlayer_lowered;
	s6 =	simm.s32 $_tile_overlayer_lowered  }
0x9b: {  	s22 =	simm.s32 $0x1BFF;
	s21 =	sshll.u32 s6, $0x1;
	s3 =	sadd.s32 s4, s19  }
0x9c: {  	s7 =	simm.s32 $0x0;
	s20 =	sshll.u32 s5, $0x1;
	s5 =	sadd.s32 s21, s3  }
0x9d: {  	[timem:s7], [sflag:s22] =	dma.local [hbm:s5], s20  }
0x9e: {  	_ =	swait.ge [sflag:s22], s20  }
0x9f: {  	s4 =	ssub.s32 $0x0, s20;
	[sflag:s22] =	ssyncset.done $0x0  }
0xa0: {  	[sflag:s22] =	ssyncadd.s32 s4;
	_ =	sdelay $0x1  }
0xa1: {  	s23 =	simm.s32 $0x1B8B  }
0xa2: {  	_ =	swait.ge [sflag:s23], $0x1  }
0xa3: {  	[sflag:s23] =	ssyncset.done $0x0  }
0xa4: {  	s25 =	simm.s32 $0x1B8E;
	s24 =	sld [smem:$0x3FFE];
	[sflag:s23] =	ssyncadd.s32 $0xFFFFFFFF  }
0xa5: {  	s26 =	simm.s32 $execute0_lowered;
	[smem:$0x3FD2] =	sst s25  }
0xa6: {  	s5 =	sshll.u32 s26, $0x1;
	_ =	strace $0x80000046;
	[dreg:$0x1] =	wrdreg $0xFFFFFFFF  }
0xa7: {  	s28 =	simm.s32 $_size_execute0_lowered;
	s3 =	sadd.s32 s3, s5;
	[dreg:$0x0] =	wrdreg $0x0  }
0xa8: {  	s5 =	sshll.u32 s28, $0x1;
	[dreg:$0x2] =	wrdreg s3  }
0xa9: {  	[dreg:$0x3] =	wrdreg s5  }
0xaa: {  	[dreg:$0x4] =	wrdreg $0xC0  }
0xab: {  	_ =	task [dreg:s7], $0x5FFFF  }
0xac: {  	[dreg:$0x1] =	wrdreg $0xFFFFFFFF  }
0xad: {  	[dreg:$0x0] =	wrdreg $0x60  }
0xae: {  	[dreg:$0x2] =	wrdreg s2  }
0xaf: {  	[dreg:$0x3] =	wrdreg s24  }
0xb0: {  	[dreg:$0x4] =	wrdreg $0x9  }
0xb1: {  	_ =	task.clear_ibuf [dreg:s7], $0x5FFFF;
	_ =	strace $0x90000046  }
0xb2: {  	s29 =	simm.s32 $0x9;
	_ =	strace $0x80000048  }
0xb3: {  	_ =	swait.ge [sflag:s29], $0x1  }
0xb4: {  	[sflag:s29] =	ssyncadd.s32 $0xFFFFFFFF  }
0xb5: {  	_ =	strace $0x90000048  }
0xb6: {  	_ =	sfence  }
0xb7: {  	s30 =	sld [smem:$0x0];
	_ =	sdelay $0x2  }
0xb8: {  	s31 =	sshll.u32 s1, $0xD;
	s1 =	sshrl.u32 s1, $0x2  }
0xb9: {  	s3 =	sand.u32 $0x4000, s31;
	s1 =	sadd.s32 s1, s30  }
0xba: {  	s0 =	sor.u32 s3, s0;
	s1 =	sshll.u32 s1, $0x11  }
0xbb: {  	s0 =	sor.u32 s1, s0  }
0xbc: {  	s0 =	sadd.s32 $0x8F2B, s0  }
0xbd: {  	[sflag:s0] =	ssyncadd.remote.s32 $0x1  }
0xbe: {  	_ =	sfence.sel $0xFFFF  }
0xbf: {  	[dreg:$0x0] =	wrdreg $0xFFFFFFFF;
	(pc) =	sbr.abs _section_cstart, $3  }
0xc0: {  	[dreg:$0x1] =	wrdreg $0xFFFFFFFF  }
0xc1: {  	_ =	task.clear_ibuf [dreg:s7], $0x2FFFF;
	_ =	strace $0x9FFFFFFF  }
0xc2: {  	(tm) =	ssettm $0x7FFFFFFF  }
0xc3: {  	_ =	shalt  }
tec
execute0_lowered:
.L_overlay_start_1:
0x0: {  	(tag) =	ssettag $0x1  }
0x1: {  	s1 =	srdreg.scid  }
0x2: {  	s4 =	rddreg [dreg:$0x0];
	s0 =	stileid.u32  }
0x3: {  	s7 =	rddreg [dreg:$0x1];
	s2 =	simm.s32 $0x0;
	s10 =	simm.s32 $0x8000  }
0x4: {  	s11 =	simm.s32 $0x8080;
	s12 =	simm.s32 $0x800;
	s13 =	simm.s32 $0x1000  }
0x5: {  	s14 =	simm.s32 $0x1800;
	s15 =	simm.s32 $0x2000;
	s16 =	simm.s32 $0x2800  }
0x6: {  	s17 =	simm.s32 $0x3000;
	s18 =	simm.s32 $0x3800;
	s19 =	simm.s32 $0x4000  }
0x7: {  	s20 =	simm.s32 $0x4800;
	s21 =	simm.s32 $0x5000;
	s22 =	simm.s32 $0x5800  }
0x8: {  	s23 =	simm.s32 $0x6000;
	s24 =	simm.s32 $0x6800;
	s25 =	simm.s32 $0x7000  }
0x9: {  	s26 =	simm.s32 $0x7800;
	s3 =	sand.u32 $0x1, s1;
	s1 =	rddreg [dreg:$0x2]  }
0xa: {  	s5 =	sshll.u32 s0, $0x7;
	[smem:$0x7FF] =	sst s2;
	s6 =	sshll.u32 s3, $0x6  }
0xb: {  	_ =	strace $0x80000047;
	s8 =	ssub.s32 $0x2, s3;
	s5 =	sor.u32 s6, s5  }
0xc: {  	s3 =	sadd.s32 $0x1200, s7;
	s9 =	sshrl.u32 s8, $0x1;
	s6 =	sshrl.u32 s5, $0x3  }
0xd: {  	v2 =	vlaneseq.u32;
	s5 =	sshll.u32 s5, $0x6;
	s8 =	ssub.s32 s8, s9;
	s9 =	simm.s32 $0x1  }
0xe: {  	vm0 =	vmmov $0xffff;
	v1 =	vshrl.u32 v2, $0x3;
	s6 =	sadd.s32 s6, s7;
	s4 =	sadd.s32 s4, s5;
	s7 =	sadd.s32 $0x1300, s7  }
0xf: {  	v0 =	vand.u32 $0x7, v2;
	v2 =	vor.u32 $0x8, v2;
	v1 =	vmul.u32 $0x8, v1;
	s8 =	smax.u32 s8, $0x1;
	s5 =	sadd.s32 $0xE00, s6;
	s6 =	sadd.s32 $0x1000, s6  }
.LBB2_1:
0x10: {  	[tilespmem:s2], [sflag:$0x1] =	stream.linear.gather [hbm4b:s4+s2], $0x8000, $0x38;
	[tilespmem:$0x8100] =	vst v63  }
0x11: {  	_ =	swait.ge [sflag:s9], $0x8000  }
0x12: {  	[sflag:s9] =	ssyncset.done $0x0  }
0x13: {  	[sflag:s9] =	ssyncadd.s32 $0xFFFF8000  }
0x14: {  	[tilespmem:s10], [sflag:$0x1] =	stream.linear.gather [hbm4b:s5+s2], $0x40, $0x38;
	[tilespmem:$0x8100] =	vst v63  }
0x15: {  	_ =	swait.ge [sflag:s9], $0x40  }
0x16: {  	[sflag:s9] =	ssyncset.done $0x0  }
0x17: {  	[sflag:s9] =	ssyncadd.s32 $0xFFFFFFC0  }
0x18: {  	[tilespmem:s11], [sflag:$0x1] =	stream.linear.gather [hbm4b:s6+s2], $0x40, $0x38;
	[tilespmem:$0x8100] =	vst v63  }
0x19: {  	_ =	swait.ge [sflag:s9], $0x40  }
0x1a: {  	[sflag:s9] =	ssyncset.done $0x0  }
0x1b: {  	[sflag:s9] =	ssyncadd.s32 $0xFFFFFFC0  }
0x1c: {  	v3 =	vld [tilespmem:$0x8000];
	_ =	sdelay $0x4  }
0x1d: {  	v4 =	vshll.u32 v3, $0x2  }
0x1e: {  	v3 =	vand.u32 $0x7, v3;
	v4 =	vand.u32 $0xFFFFFFE0, v4  }
0x1f: {  	v3 =	vor.u32 v3, v4  }
0x20: {  	v4 =	vperm.xlane v3, v0;
	_ =	sdelay $0x1  }
0x21: {  	v4 =	vadd.s32 v1, v4;
	_ =	sdelay $0x1  }
0x22: {  	v3 =	vperm.xlane v3, v2;
	_ =	sdelay $0x1  }
0x23: {  	v3 =	vadd.s32 v1, v3  }
0x24: {  	[hbm4b:s3+s2] =	stream.indirect_vreg.scatter [tilespmem:s2], [sflag:$0x1], $0x80, v4, vm0, $0xb8;
	[tilespmem:$0x8100] =	vst v63  }
0x25: {  	_ = 	snop  }
0x26: {  	[hbm4b:s7+s2] =	stream.indirect_vreg.scatter [tilespmem:s12], [sflag:$0x1], $0x80, v4, vm0, $0xb8;
	[tilespmem:$0x8100] =	vst v63  }
0x27: {  	_ = 	snop  }
0x28: {  	[hbm4b:s3+s2] =	stream.indirect_vreg.scatter [tilespmem:s13], [sflag:$0x1], $0x80, v3, vm0, $0xb8;
	[tilespmem:$0x8100] =	vst v63  }
0x29: {  	_ = 	snop  }
0x2a: {  	[hbm4b:s7+s2] =	stream.indirect_vreg.scatter [tilespmem:s14], [sflag:$0x1], $0x80, v3, vm0, $0xb8;
	[tilespmem:$0x8100] =	vst v63  }
0x2b: {  	v3 =	vld [tilespmem:$0x8010];
	_ =	sdelay $0x4  }
0x2c: {  	v57 =	vshll.u32 v3, $0x2  }
0x2d: {  	v3 =	vand.u32 $0x7, v3;
	v4 =	vand.u32 $0xFFFFFFE0, v57  }
0x2e: {  	v3 =	vor.u32 v3, v4  }
0x2f: {  	v4 =	vperm.xlane v3, v0;
	_ =	sdelay $0x1  }
0x30: {  	v4 =	vadd.s32 v1, v4;
	_ =	sdelay $0x1  }
0x31: {  	v3 =	vperm.xlane v3, v2;
	_ =	sdelay $0x1  }
0x32: {  	v3 =	vadd.s32 v1, v3  }
0x33: {  	[hbm4b:s3+s2] =	stream.indirect_vreg.scatter [tilespmem:s15], [sflag:$0x1], $0x80, v4, vm0, $0xb8;
	[tilespmem:$0x8100] =	vst v63  }
0x34: {  	_ = 	snop  }
0x35: {  	[hbm4b:s7+s2] =	stream.indirect_vreg.scatter [tilespmem:s16], [sflag:$0x1], $0x80, v4, vm0, $0xb8;
	[tilespmem:$0x8100] =	vst v63  }
0x36: {  	_ = 	snop  }
0x37: {  	[hbm4b:s3+s2] =	stream.indirect_vreg.scatter [tilespmem:s17], [sflag:$0x1], $0x80, v3, vm0, $0xb8;
	[tilespmem:$0x8100] =	vst v63  }
0x38: {  	_ = 	snop  }
0x39: {  	[hbm4b:s7+s2] =	stream.indirect_vreg.scatter [tilespmem:s18], [sflag:$0x1], $0x80, v3, vm0, $0xb8;
	[tilespmem:$0x8100] =	vst v63  }
0x3a: {  	v3 =	vld [tilespmem:$0x8020];
	_ =	sdelay $0x4  }
0x3b: {  	v58 =	vshll.u32 v3, $0x2  }
0x3c: {  	v3 =	vand.u32 $0x7, v3;
	v4 =	vand.u32 $0xFFFFFFE0, v58  }
0x3d: {  	v3 =	vor.u32 v3, v4  }
0x3e: {  	v4 =	vperm.xlane v3, v0;
	_ =	sdelay $0x1  }
0x3f: {  	v4 =	vadd.s32 v1, v4;
	_ =	sdelay $0x1  }
0x40: {  	v3 =	vperm.xlane v3, v2;
	_ =	sdelay $0x1  }
0x41: {  	v3 =	vadd.s32 v1, v3  }
0x42: {  	[hbm4b:s3+s2] =	stream.indirect_vreg.scatter [tilespmem:s19], [sflag:$0x1], $0x80, v4, vm0, $0xb8;
	[tilespmem:$0x8100] =	vst v63  }
0x43: {  	_ = 	snop  }
0x44: {  	[hbm4b:s7+s2] =	stream.indirect_vreg.scatter [tilespmem:s20], [sflag:$0x1], $0x80, v4, vm0, $0xb8;
	[tilespmem:$0x8100] =	vst v63  }
0x45: {  	_ = 	snop  }
0x46: {  	[hbm4b:s3+s2] =	stream.indirect_vreg.scatter [tilespmem:s21], [sflag:$0x1], $0x80, v3, vm0, $0xb8;
	[tilespmem:$0x8100] =	vst v63  }
0x47: {  	_ = 	snop  }
0x48: {  	[hbm4b:s7+s2] =	stream.indirect_vreg.scatter [tilespmem:s22], [sflag:$0x1], $0x80, v3, vm0, $0xb8;
	[tilespmem:$0x8100] =	vst v63  }
0x49: {  	v3 =	vld [tilespmem:$0x8030];
	_ =	sdelay $0x4  }
0x4a: {  	v59 =	vshll.u32 v3, $0x2  }
0x4b: {  	v3 =	vand.u32 $0x7, v3;
	v4 =	vand.u32 $0xFFFFFFE0, v59  }
0x4c: {  	v3 =	vor.u32 v3, v4  }
0x4d: {  	v4 =	vperm.xlane v3, v0;
	_ =	sdelay $0x1  }
0x4e: {  	v4 =	vadd.s32 v1, v4;
	_ =	sdelay $0x1  }
0x4f: {  	v3 =	vperm.xlane v3, v2;
	_ =	sdelay $0x1  }
0x50: {  	v3 =	vadd.s32 v1, v3  }
0x51: {  	[hbm4b:s3+s2] =	stream.indirect_vreg.scatter [tilespmem:s23], [sflag:$0x1], $0x80, v4, vm0, $0xb8;
	[tilespmem:$0x8100] =	vst v63  }
0x52: {  	_ = 	snop  }
0x53: {  	[hbm4b:s7+s2] =	stream.indirect_vreg.scatter [tilespmem:s24], [sflag:$0x1], $0x80, v4, vm0, $0xb8;
	[tilespmem:$0x8100] =	vst v63  }
0x54: {  	_ = 	snop  }
0x55: {  	[hbm4b:s3+s2] =	stream.indirect_vreg.scatter [tilespmem:s25], [sflag:$0x1], $0x80, v3, vm0, $0xb8;
	[tilespmem:$0x8100] =	vst v63  }
0x56: {  	_ = 	snop  }
0x57: {  	[hbm4b:s7+s2] =	stream.indirect_vreg.scatter [tilespmem:s26], [sflag:$0x1], $0x80, v3, vm0, $0xb8;
	[tilespmem:$0x8100] =	vst v63  }
0x58: {  	_ =	swait.ge [sflag:s9], $0x8000  }
0x59: {  	[sflag:s9] =	ssyncset.done $0x0  }
0x5a: {  	[sflag:s9] =	ssyncadd.s32 $0xFFFF8000  }
0x5b: {  	v3 =	vld [tilespmem:$0x8080];
	_ =	sdelay $0x4  }
0x5c: {  	v60 =	vshll.u32 v3, $0x2  }
0x5d: {  	v3 =	vand.u32 $0x7, v3;
	v4 =	vand.u32 $0xFFFFFFE0, v60  }
0x5e: {  	v3 =	vor.u32 v3, v4  }
0x5f: {  	v4 =	vperm.xlane v3, v0;
	_ =	sdelay $0x1  }
0x60: {  	v4 =	vadd.s32 v1, v4;
	_ =	sdelay $0x1  }
0x61: {  	v3 =	vperm.xlane v3, v2;
	_ =	sdelay $0x1  }
0x62: {  	v3 =	vadd.s32 v1, v3  }
0x63: {  	[hbm4b:s3+s2] =	stream.indirect_vreg.scatter [tilespmem:s2], [sflag:$0x1], $0x80, v4, vm0, $0xb8;
	[tilespmem:$0x8100] =	vst v63  }
0x64: {  	_ = 	snop  }
0x65: {  	[hbm4b:s7+s2] =	stream.indirect_vreg.scatter [tilespmem:s12], [sflag:$0x1], $0x80, v4, vm0, $0xb8;
	[tilespmem:$0x8100] =	vst v63  }
0x66: {  	_ = 	snop  }
0x67: {  	[hbm4b:s3+s2] =	stream.indirect_vreg.scatter [tilespmem:s13], [sflag:$0x1], $0x80, v3, vm0, $0xb8;
	[tilespmem:$0x8100] =	vst v63  }
0x68: {  	_ = 	snop  }
0x69: {  	[hbm4b:s7+s2] =	stream.indirect_vreg.scatter [tilespmem:s14], [sflag:$0x1], $0x80, v3, vm0, $0xb8;
	[tilespmem:$0x8100] =	vst v63  }
0x6a: {  	v3 =	vld [tilespmem:$0x8090];
	_ =	sdelay $0x4  }
0x6b: {  	v61 =	vshll.u32 v3, $0x2  }
0x6c: {  	v3 =	vand.u32 $0x7, v3;
	v4 =	vand.u32 $0xFFFFFFE0, v61  }
0x6d: {  	v3 =	vor.u32 v3, v4  }
0x6e: {  	v4 =	vperm.xlane v3, v0;
	_ =	sdelay $0x1  }
0x6f: {  	v4 =	vadd.s32 v1, v4;
	_ =	sdelay $0x1  }
0x70: {  	v3 =	vperm.xlane v3, v2;
	_ =	sdelay $0x1  }
0x71: {  	v3 =	vadd.s32 v1, v3  }
0x72: {  	[hbm4b:s3+s2] =	stream.indirect_vreg.scatter [tilespmem:s15], [sflag:$0x1], $0x80, v4, vm0, $0xb8;
	[tilespmem:$0x8100] =	vst v63  }
0x73: {  	_ = 	snop  }
0x74: {  	[hbm4b:s7+s2] =	stream.indirect_vreg.scatter [tilespmem:s16], [sflag:$0x1], $0x80, v4, vm0, $0xb8;
	[tilespmem:$0x8100] =	vst v63  }
0x75: {  	_ = 	snop  }
0x76: {  	[hbm4b:s3+s2] =	stream.indirect_vreg.scatter [tilespmem:s17], [sflag:$0x1], $0x80, v3, vm0, $0xb8;
	[tilespmem:$0x8100] =	vst v63  }
0x77: {  	_ = 	snop  }
0x78: {  	[hbm4b:s7+s2] =	stream.indirect_vreg.scatter [tilespmem:s18], [sflag:$0x1], $0x80, v3, vm0, $0xb8;
	[tilespmem:$0x8100] =	vst v63  }
0x79: {  	v3 =	vld [tilespmem:$0x80A0];
	_ =	sdelay $0x4  }
0x7a: {  	v62 =	vshll.u32 v3, $0x2  }
0x7b: {  	v3 =	vand.u32 $0x7, v3;
	v4 =	vand.u32 $0xFFFFFFE0, v62  }
0x7c: {  	v3 =	vor.u32 v3, v4  }
0x7d: {  	v4 =	vperm.xlane v3, v0;
	_ =	sdelay $0x1  }
0x7e: {  	v4 =	vadd.s32 v1, v4;
	_ =	sdelay $0x1  }
0x7f: {  	v3 =	vperm.xlane v3, v2;
	_ =	sdelay $0x1  }
0x80: {  	v3 =	vadd.s32 v1, v3  }
0x81: {  	[hbm4b:s3+s2] =	stream.indirect_vreg.scatter [tilespmem:s19], [sflag:$0x1], $0x80, v4, vm0, $0xb8;
	[tilespmem:$0x8100] =	vst v63  }
0x82: {  	_ = 	snop  }
0x83: {  	[hbm4b:s7+s2] =	stream.indirect_vreg.scatter [tilespmem:s20], [sflag:$0x1], $0x80, v4, vm0, $0xb8;
	[tilespmem:$0x8100] =	vst v63  }
0x84: {  	_ = 	snop  }
0x85: {  	[hbm4b:s3+s2] =	stream.indirect_vreg.scatter [tilespmem:s21], [sflag:$0x1], $0x80, v3, vm0, $0xb8;
	[tilespmem:$0x8100] =	vst v63  }
0x86: {  	_ = 	snop  }
0x87: {  	[hbm4b:s7+s2] =	stream.indirect_vreg.scatter [tilespmem:s22], [sflag:$0x1], $0x80, v3, vm0, $0xb8;
	[tilespmem:$0x8100] =	vst v63  }
0x88: {  	v3 =	vld [tilespmem:$0x80B0];
	_ =	sdelay $0x4  }
0x89: {  	v63 =	vshll.u32 v3, $0x2  }
0x8a: {  	v3 =	vand.u32 $0x7, v3;
	v4 =	vand.u32 $0xFFFFFFE0, v63  }
0x8b: {  	v3 =	vor.u32 v3, v4  }
0x8c: {  	v4 =	vperm.xlane v3, v0;
	_ =	sdelay $0x1  }
0x8d: {  	v4 =	vadd.s32 v1, v4;
	_ =	sdelay $0x1  }
0x8e: {  	v3 =	vperm.xlane v3, v2;
	_ =	sdelay $0x1  }
0x8f: {  	v3 =	vadd.s32 v1, v3  }
0x90: {  	[hbm4b:s3+s2] =	stream.indirect_vreg.scatter [tilespmem:s23], [sflag:$0x1], $0x80, v4, vm0, $0xb8;
	[tilespmem:$0x8100] =	vst v63  }
0x91: {  	_ = 	snop  }
0x92: {  	[hbm4b:s7+s2] =	stream.indirect_vreg.scatter [tilespmem:s24], [sflag:$0x1], $0x80, v4, vm0, $0xb8;
	[tilespmem:$0x8100] =	vst v63  }
0x93: {  	p0 =	sne.s32 s8, $0x1  }
0x94: {  	[hbm4b:s3+s2] =	stream.indirect_vreg.scatter [tilespmem:s25], [sflag:$0x1], $0x80, v3, vm0, $0xb8;
	[tilespmem:$0x8100] =	vst v63  }
.Ltmp0:
0x95: {  	_ = 	snop;
	(pc) =	sbr.rel @p0 .LBB2_1-.Ltmp0, $4  }
0x96: {  	[hbm4b:s7+s2] =	stream.indirect_vreg.scatter [tilespmem:s26], [sflag:$0x1], $0x80, v3, vm0, $0xb8;
	[tilespmem:$0x8100] =	vst v63  }
0x97: {  	_ =	swait.ge [sflag:s9], $0x8000  }
0x98: {  	[sflag:s9] =	ssyncset.done $0x0  }
0x99: {  	s8 =	sadd.s32 $0xFFFFFFFF, s8;
	[sflag:s9] =	ssyncadd.s32 $0xFFFF8000  }
0x9a: {  	_ =	sfence.sel $0x180000  }
0x9b: {  	[bflag:$0x0] =	sbarrier.arrive $0xFFFF  }
0x9c: {  	p0 =	sne.s32 s0, $0x0;
	_ =	strace $0x90000047  }
0x9d: {  	s0 =	sadd.s32 @!p0 $0x100000, s1;
	[bflag:$0x2] =	sbarrier.arrive $0xFFFF  }
0x9e: {  	[sflag:s0] =	ssyncadd.tile.s32 @!p0 $0x1;
	_ =	shalt  }
.Lfunc_end2:
_tile_overlayer_lowered:
.L_overlay_start_2:
0x9f: {  	(tag) =	ssettag $0x2  }
0xa0: {  	s0 =	rddreg [dreg:$0x0];
	s2 =	stileid.u32  }
0xa1: {  	s1 =	rddreg [dreg:$0x1];
	p0 =	sne.s32 s2, $0x0  }
0xa2: {  	s3 =	rddreg [dreg:$0x2];
	[bflag:$0x3] =	sbarrier.arrive $0xFFFF;
	s2 =	simm.s32 @!p0 $0x1C01  }
0xa3: {  	[timem:s3], [sflag:s2] =	dma.local @!p0 [hbm:s0], s1  }
0xa4: {  	s0 =	simm.s32 @!p0 $0x1  }
0xa5: {  	_ =	swait.ge @!p0 [sflag:s0], s1  }
0xa6: {  	s1 =	ssub.s32 @!p0 $0x0, s1;
	[sflag:s0] =	ssyncset.done @!p0 $0x0  }
0xa7: {  	[sflag:s0] =	ssyncadd.s32 @!p0 s1  }
0xa8: {  	[bflag:$0x3] =	sbarrier.arrive $0xFFFF  }
0xa9: {  	_ =	shalt  }

</sc_bundles>
